<compile_context>
chip_gen: v7x
topology: tpu7x:2x2x1
jax: 0.10.2.dev20260603
libtpu: 0.0.44.dev20260713+nightly
codegen_flags: <defaults>
</compile_context>

<pallas_src>
import functools

import jax
import jax.numpy as jnp
from jax import lax
from jax.experimental import pallas as pl
from jax.experimental.pallas import tpu as pltpu
from jax.experimental.pallas import tpu_sc as plsc

EMBED = 16
NUM_CORES = 2
NUM_SUBCORES = 16
NUM_WORKERS = NUM_CORES * NUM_SUBCORES
CHUNK = 128
NBUF = 5
GROUP = 4
MM_BLOCK = 512


def _sc_detile(table_t):
    vocab = table_t.shape[1]
    full_tiles = vocab // 128
    out_rows = vocab * EMBED // 128

    mesh = plsc.VectorSubcoreMesh(core_axis_name="c", subcore_axis_name="s")

    scratch = [pltpu.VMEM((EMBED, 128), jnp.float32) for _ in range(2)]
    scratch += [pltpu.VMEM((EMBED, 128), jnp.float32) for _ in range(2)]
    scratch += [pltpu.SemaphoreType.DMA for _ in range(4)]

    @functools.partial(
        pl.kernel,
        mesh=mesh,
        out_type=jax.ShapeDtypeStruct((out_rows, 128), jnp.float32),
        scratch_types=scratch,
        compiler_params=pltpu.CompilerParams(
            use_tc_tiling_on_sc=True, needs_layout_passes=False
        ),
    )
    def detile_kernel(t_hbm, out_hbm, in0, in1, o0, o1, si0, si1, so0, so1):
        wid = lax.axis_index("s") * NUM_CORES + lax.axis_index("c")
        ins, outs = (in0, in1), (o0, o1)
        isems, osems = (si0, si1), (so0, so1)
        e_iota = lax.broadcasted_iota(jnp.int32, (16,), 0)
        stride = 2 * NUM_WORKERS

        def start_in(j, p):
            pltpu.async_copy(
                t_hbm.at[:, pl.ds(j * 128, 128)], ins[p], isems[p]
            )

        def transpose_tile(p, cols):
            @pl.loop(0, cols // 8)
            def _(r):
                for q in range(8):
                    l = 8 * r + q
                    vals = plsc.load_gather(
                        ins[p], [e_iota, jnp.full((16,), l, jnp.int32)]
                    )
                    outs[p][r, pl.ds(q * 16, 16)] = vals

        for p in range(2):
            @pl.when(wid + p * NUM_WORKERS < full_tiles)
            def _():
                start_in(wid + p * NUM_WORKERS, p)

        @pl.loop(wid, full_tiles, step=stride)
        def _(j0):
            for p in range(2):
                j = j0 + p * NUM_WORKERS

                @pl.when(j < full_tiles)
                def _():
                    pltpu.make_async_copy(
                        t_hbm.at[:, pl.ds(0, 128)], ins[p], isems[p]
                    ).wait()

                    @pl.when(j >= wid + stride)
                    def _():
                        pltpu.make_async_copy(
                            outs[p], out_hbm.at[pl.ds(0, EMBED)], osems[p]
                        ).wait()

                    transpose_tile(p, 128)

                    @pl.when(j + stride < full_tiles)
                    def _():
                        start_in(j + stride, p)

                    pltpu.async_copy(
                        outs[p],
                        out_hbm.at[pl.ds(j * EMBED, EMBED)],
                        osems[p],
                    )

        for p in range(2):
            @pl.when(wid + p * NUM_WORKERS < full_tiles)
            def _():
                pltpu.make_async_copy(
                    outs[p], out_hbm.at[pl.ds(0, EMBED)], osems[p]
                ).wait()

    return detile_kernel(table_t)


def _sc_gather(table, idx_flat):
    num_indices = idx_flat.shape[0]
    per_worker = num_indices // NUM_WORKERS
    num_chunks = per_worker // CHUNK
    assert per_worker % CHUNK == 0 and num_chunks % NBUF == 0

    mesh = plsc.VectorSubcoreMesh(core_axis_name="c", subcore_axis_name="s")

    scratch = [pltpu.VMEM((per_worker,), jnp.int32)]
    scratch += [pltpu.VMEM((CHUNK, EMBED), table.dtype) for _ in range(NBUF)]
    scratch += [pltpu.SemaphoreType.DMA for _ in range(NBUF)]

    @functools.partial(
        pl.kernel,
        mesh=mesh,
        out_type=jax.ShapeDtypeStruct((num_indices, EMBED), table.dtype),
        scratch_types=scratch,
        compiler_params=pltpu.CompilerParams(use_tc_tiling_on_sc=False),
    )
    def gather_kernel(table_hbm, idx_hbm, out_hbm, idx_v, *rows_and_sems):
        rows = rows_and_sems[:NBUF]
        sems = rows_and_sems[NBUF:]
        wid = lax.axis_index("s") * NUM_CORES + lax.axis_index("c")
        base = wid * per_worker
        pltpu.sync_copy(idx_hbm.at[pl.ds(base, per_worker)], idx_v)

        def start(chunk, b):
            pltpu.async_copy(
                table_hbm.at[idx_v.at[pl.ds(chunk * CHUNK, CHUNK)]],
                rows[b],
                sems[b],
            )

        for b in range(NBUF):
            start(b, b)

        @pl.loop(0, num_chunks, step=NBUF)
        def _(c0):
            for b in range(NBUF):
                c = c0 + b
                pltpu.make_async_copy(
                    table_hbm.at[idx_v.at[pl.ds(0, CHUNK)]], rows[b], sems[b]
                ).wait()
                pltpu.sync_copy(
                    rows[b], out_hbm.at[pl.ds(base + c * CHUNK, CHUNK)]
                )
                nxt = c + NBUF

                @pl.when(nxt < num_chunks)
                def _():
                    start(nxt, b)

    return gather_kernel(table, idx_flat)


def _tc_matmul(x2, W, b):
    out_dim = W.shape[1]
    num_rows = x2.shape[0] * 128 // (W.shape[0])
    xrows_per_block = MM_BLOCK * W.shape[0] // 128
    groups = MM_BLOCK // GROUP

    t2 = jnp.zeros((GROUP * W.shape[0] // 128 * 128, GROUP * out_dim), x2.dtype)
    for a in range(GROUP):
        t2 = lax.dynamic_update_slice(t2, W, (a * W.shape[0], a * out_dim))
    b_tiled = jnp.tile(b, GROUP).reshape(1, GROUP * out_dim)

    def mm_kernel(x_ref, t2_ref, b_ref, o_ref):
        xg = x_ref[...].reshape(groups, xrows_per_block * 128 // groups)
        out = (
            jnp.dot(xg, t2_ref[...], preferred_element_type=jnp.float32)
            + b_ref[...]
        )
        o_ref[...] = out.reshape(MM_BLOCK, out_dim)

    return pl.pallas_call(
        mm_kernel,
        grid=(num_rows // MM_BLOCK,),
        in_specs=[
            pl.BlockSpec((xrows_per_block, 128), lambda i: (i, 0)),
            pl.BlockSpec(t2.shape, lambda i: (0, 0)),
            pl.BlockSpec(b_tiled.shape, lambda i: (0, 0)),
        ],
        out_specs=pl.BlockSpec((MM_BLOCK, out_dim), lambda i: (i, 0)),
        out_shape=jax.ShapeDtypeStruct((num_rows, out_dim), jnp.float32),
    )(x2, t2, b_tiled)


def kernel(obs, table, W, b):
    batch, seq, obs_dim = obs.shape
    num_indices = batch * seq * obs_dim
    idx_flat = obs.transpose(1, 0, 2).reshape(num_indices)
    t128 = _sc_detile(table.T)
    vocab = table.shape[0]
    full_tiles = vocab // 128
    if vocab % 128:
        tail = table[full_tiles * 128:, :].reshape(-1, 128)
        t128 = lax.dynamic_update_slice(
            t128, tail, (full_tiles * EMBED, 0)
        )
    table_lin = t128.reshape(table.shape)
    emb = _sc_gather(table_lin, idx_flat)
    emb128 = emb.reshape(num_indices * EMBED // 128, 128)
    out = _tc_matmul(emb128, W, b)
    return out.reshape(seq, batch, -1).transpose(1, 0, 2)

# --- scband reference (transcript-rebuilt; emitter-appended) ---
"""Pipeline reference for scband-observation-embedding-representation-71811853189756 (READ-ONLY COPY).

The authoritative reference and input builder live on the scoring server;
editing this copy changes nothing except your own understanding.
"""

import jax, jax.numpy as jnp
import numpy as np

VOCAB = 1000000
EMBED_PER_OBS = 16
OBS_DIM = 26
OUT_DIM = 128
BATCH = 1024
SEQ = 50


def setup_inputs(seed: int = 0) -> dict:
    key = jax.random.key(seed)
    k1, k2, k3, k4 = jax.random.split(key, 4)
    obs = jax.random.randint(k1, (BATCH, SEQ, OBS_DIM), 0, VOCAB, dtype=jnp.int32)
    table = jax.random.normal(k2, (VOCAB, EMBED_PER_OBS), dtype=jnp.float32)
    W = jax.random.normal(k3, (EMBED_PER_OBS * OBS_DIM, OUT_DIM), dtype=jnp.float32) * 0.05
    b = jax.random.normal(k4, (OUT_DIM,), dtype=jnp.float32) * 0.05
    return {"obs": obs, "table": table, "W": W, "b": b}


def reference(obs, table, W, b):
    batch, seq = obs.shape[0], obs.shape[1]
    # flatten batch and seq dims, as in the torch module
    obs_flat = obs.reshape(batch * seq, OBS_DIM)
    # embedding lookup (gather)
    emb = jnp.take(table, obs_flat, axis=0)  # [B*S, OBS_DIM, EMBED_PER_OBS]
    # Flatten(start_dim=-2)
    emb_flat = emb.reshape(batch * seq, OBS_DIM * EMBED_PER_OBS)
    # Linear
    out = emb_flat @ W + b  # [B*S, OUT_DIM]
    out = out.reshape(batch, seq, OUT_DIM)
    return out

if __name__ == "__main__":
    import jax
    _d = setup_inputs()
    print(jax.jit(kernel)(*tuple(_d.values())))

</pallas_src>

<mosaic_0001>
#map = affine_map<(d0, d1) -> (0, 0)>
#map1 = affine_map<(d0, d1) -> (0)>
module attributes {stable_mosaic.version = 14 : i64} {
  func.func @gather_kernel(%arg0: i32, %arg1: i32, %arg2: memref<1000000x16xf32, #tpu.memory_space<hbm>>, %arg3: memref<1331200xi32, #tpu.memory_space<hbm>>, %arg4: memref<1331200x16xf32, #tpu.memory_space<hbm>>, %arg5: memref<41600xi32, #tpu.memory_space<vmem>>, %arg6: memref<128x16xf32, #tpu.memory_space<vmem>>, %arg7: memref<128x16xf32, #tpu.memory_space<vmem>>, %arg8: memref<128x16xf32, #tpu.memory_space<vmem>>, %arg9: memref<128x16xf32, #tpu.memory_space<vmem>>, %arg10: memref<128x16xf32, #tpu.memory_space<vmem>>, %arg11: memref<!tpu.dma_semaphore, #tpu.memory_space<semaphore_mem>>, %arg12: memref<!tpu.dma_semaphore, #tpu.memory_space<semaphore_mem>>, %arg13: memref<!tpu.dma_semaphore, #tpu.memory_space<semaphore_mem>>, %arg14: memref<!tpu.dma_semaphore, #tpu.memory_space<semaphore_mem>>, %arg15: memref<!tpu.dma_semaphore, #tpu.memory_space<semaphore_mem>>) attributes {dimension_semantics = [#tpu.dimension_semantics<core_parallel>, #tpu.dimension_semantics<subcore_parallel>], iteration_bounds = array<i64: 2, 16>, scalar_prefetch = 0 : i64, scratch_operands = 11 : i64, tpu.core_type = #tpu.core_type<sc_vector_subcore>, window_params = [{transform_indices = #map}, {transform_indices = #map1}, {transform_indices = #map}]} {
    %mul3A = arith.constant 2 : i32
    %mul3A_0 = arith.muli %arg1, %mul3A : i32
    %add3A = arith.addi %mul3A_0, %arg0 : i32
    %mul3A_1 = arith.constant 41600 : i32
    %mul3A_2 = arith.muli %add3A, %mul3A_1 : i32
    "tpu.region"() ({
      %run_scoped3A = tpu.sem_alloc : memref<!tpu.dma_semaphore, #tpu.memory_space<semaphore_mem>>
      %dma_start3A_31 = tpu.memref_slice %arg3[%mul3A_2] : memref<1331200xi32, #tpu.memory_space<hbm>> -> memref<41600xi32, #tpu.memory_space<hbm>>
      %dma_start3A_32 = tpu.memref_slice %arg3[%mul3A_2] : memref<1331200xi32, #tpu.memory_space<hbm>> -> memref<41600xi32, #tpu.memory_space<hbm>>
      tpu.enqueue_dma source(%dma_start3A_32 : memref<41600xi32, #tpu.memory_space<hbm>>) target(%arg5 : memref<41600xi32, #tpu.memory_space<vmem>>) target_semaphore(%run_scoped3A : memref<!tpu.dma_semaphore, #tpu.memory_space<semaphore_mem>>)
      %dma_wait3A = tpu.memref_slice %arg3[%mul3A_2] : memref<1331200xi32, #tpu.memory_space<hbm>> -> memref<41600xi32, #tpu.memory_space<hbm>>
      %dma_wait3A_33 = tpu.memref_slice %arg3[%mul3A_2] : memref<1331200xi32, #tpu.memory_space<hbm>> -> memref<41600xi32, #tpu.memory_space<hbm>>
      tpu.wait_dma2 semaphore(%run_scoped3A : memref<!tpu.dma_semaphore, #tpu.memory_space<semaphore_mem>>) src(%dma_wait3A_33 : memref<41600xi32, #tpu.memory_space<hbm>>) dst(%arg5 : memref<41600xi32, #tpu.memory_space<vmem>>)
      tpu.yield
    }) : () -> ()
    %dma_start3A = arith.constant 0 : i32
    %dma_start3A_3 = tpu.memref_slice %arg5[%dma_start3A] : memref<41600xi32, #tpu.memory_space<vmem>> -> memref<128xi32, #tpu.memory_space<vmem>>
    %dma_start3A_4 = arith.constant 0 : i32
    %dma_start3A_5 = arith.constant 0 : i32
    %dma_start3A_6 = tpu.memref_slice %arg2[%dma_start3A_4, %dma_start3A_5] : memref<1000000x16xf32, #tpu.memory_space<hbm>> -> memref<1000000x16xf32, #tpu.memory_space<hbm>>
    tpu.enqueue_indirect_dma source(%dma_start3A_6 : memref<1000000x16xf32, #tpu.memory_space<hbm>>) target(%arg6 : memref<128x16xf32, #tpu.memory_space<vmem>>) offsets(%dma_start3A_3 : memref<128xi32, #tpu.memory_space<vmem>>) semaphore(%arg11 : memref<!tpu.dma_semaphore, #tpu.memory_space<semaphore_mem>>)
    %dma_start3A_7 = arith.constant 128 : i32
    %dma_start3A_8 = tpu.memref_slice %arg5[%dma_start3A_7] : memref<41600xi32, #tpu.memory_space<vmem>> -> memref<128xi32, #tpu.memory_space<vmem>>
    %dma_start3A_9 = arith.constant 0 : i32
    %dma_start3A_10 = arith.constant 0 : i32
    %dma_start3A_11 = tpu.memref_slice %arg2[%dma_start3A_9, %dma_start3A_10] : memref<1000000x16xf32, #tpu.memory_space<hbm>> -> memref<1000000x16xf32, #tpu.memory_space<hbm>>
    tpu.enqueue_indirect_dma source(%dma_start3A_11 : memref<1000000x16xf32, #tpu.memory_space<hbm>>) target(%arg7 : memref<128x16xf32, #tpu.memory_space<vmem>>) offsets(%dma_start3A_8 : memref<128xi32, #tpu.memory_space<vmem>>) semaphore(%arg12 : memref<!tpu.dma_semaphore, #tpu.memory_space<semaphore_mem>>)
    %dma_start3A_12 = arith.constant 256 : i32
    %dma_start3A_13 = tpu.memref_slice %arg5[%dma_start3A_12] : memref<41600xi32, #tpu.memory_space<vmem>> -> memref<128xi32, #tpu.memory_space<vmem>>
    %dma_start3A_14 = arith.constant 0 : i32
    %dma_start3A_15 = arith.constant 0 : i32
    %dma_start3A_16 = tpu.memref_slice %arg2[%dma_start3A_14, %dma_start3A_15] : memref<1000000x16xf32, #tpu.memory_space<hbm>> -> memref<1000000x16xf32, #tpu.memory_space<hbm>>
    tpu.enqueue_indirect_dma source(%dma_start3A_16 : memref<1000000x16xf32, #tpu.memory_space<hbm>>) target(%arg8 : memref<128x16xf32, #tpu.memory_space<vmem>>) offsets(%dma_start3A_13 : memref<128xi32, #tpu.memory_space<vmem>>) semaphore(%arg13 : memref<!tpu.dma_semaphore, #tpu.memory_space<semaphore_mem>>)
    %dma_start3A_17 = arith.constant 384 : i32
    %dma_start3A_18 = tpu.memref_slice %arg5[%dma_start3A_17] : memref<41600xi32, #tpu.memory_space<vmem>> -> memref<128xi32, #tpu.memory_space<vmem>>
    %dma_start3A_19 = arith.constant 0 : i32
    %dma_start3A_20 = arith.constant 0 : i32
    %dma_start3A_21 = tpu.memref_slice %arg2[%dma_start3A_19, %dma_start3A_20] : memref<1000000x16xf32, #tpu.memory_space<hbm>> -> memref<1000000x16xf32, #tpu.memory_space<hbm>>
    tpu.enqueue_indirect_dma source(%dma_start3A_21 : memref<1000000x16xf32, #tpu.memory_space<hbm>>) target(%arg9 : memref<128x16xf32, #tpu.memory_space<vmem>>) offsets(%dma_start3A_18 : memref<128xi32, #tpu.memory_space<vmem>>) semaphore(%arg14 : memref<!tpu.dma_semaphore, #tpu.memory_space<semaphore_mem>>)
    %dma_start3A_22 = arith.constant 512 : i32
    %dma_start3A_23 = tpu.memref_slice %arg5[%dma_start3A_22] : memref<41600xi32, #tpu.memory_space<vmem>> -> memref<128xi32, #tpu.memory_space<vmem>>
    %dma_start3A_24 = arith.constant 0 : i32
    %dma_start3A_25 = arith.constant 0 : i32
    %dma_start3A_26 = tpu.memref_slice %arg2[%dma_start3A_24, %dma_start3A_25] : memref<1000000x16xf32, #tpu.memory_space<hbm>> -> memref<1000000x16xf32, #tpu.memory_space<hbm>>
    tpu.enqueue_indirect_dma source(%dma_start3A_26 : memref<1000000x16xf32, #tpu.memory_space<hbm>>) target(%arg10 : memref<128x16xf32, #tpu.memory_space<vmem>>) offsets(%dma_start3A_23 : memref<128xi32, #tpu.memory_space<vmem>>) semaphore(%arg15 : memref<!tpu.dma_semaphore, #tpu.memory_space<semaphore_mem>>)
    %scan3A = arith.constant 0 : i32
    %scan3A_27 = arith.constant 65 : i32
    %scan3A_28 = arith.addi %scan3A, %scan3A_27 : i32
    %scan3A_29 = arith.constant 1 : i32
    scf.for %scan3A_31 = %scan3A to %scan3A_28 step %scan3A_29  : i32 {
      %mul3A_32 = arith.constant 5 : i32
      %mul3A_33 = arith.muli %scan3A_31, %mul3A_32 : i32
      %add3A_34 = arith.constant 0 : i32
      %add3A_35 = arith.addi %add3A_34, %mul3A_33 : i32
      %add3A_36 = arith.constant 0 : i32
      %add3A_37 = arith.addi %add3A_35, %add3A_36 : i32
      %dma_wait3A = arith.constant 0 : i32
      %dma_wait3A_38 = tpu.memref_slice %arg5[%dma_wait3A] : memref<41600xi32, #tpu.memory_space<vmem>> -> memref<128xi32, #tpu.memory_space<vmem>>
      %dma_wait3A_39 = arith.constant 0 : i32
      %dma_wait3A_40 = arith.constant 0 : i32
      %dma_wait3A_41 = tpu.memref_slice %arg2[%dma_wait3A_39, %dma_wait3A_40] : memref<1000000x16xf32, #tpu.memory_space<hbm>> -> memref<1000000x16xf32, #tpu.memory_space<hbm>>
      tpu.wait_indirect_dma semaphore(%arg11 : memref<!tpu.dma_semaphore, #tpu.memory_space<semaphore_mem>>) src(%dma_wait3A_41 : memref<1000000x16xf32, #tpu.memory_space<hbm>>) dst(%arg6 : memref<128x16xf32, #tpu.memory_space<vmem>>)
      %mul3A_42 = arith.constant 128 : i32
      %mul3A_43 = arith.muli %add3A_37, %mul3A_42 : i32
      %add3A_44 = arith.addi %mul3A_2, %mul3A_43 : i32
      "tpu.region"() ({
        %run_scoped3A = tpu.sem_alloc : memref<!tpu.dma_semaphore, #tpu.memory_space<semaphore_mem>>
        %dma_start3A_117 = arith.constant 0 : i32
        %dma_start3A_118 = tpu.memref_slice %arg4[%add3A_44, %dma_start3A_117] : memref<1331200x16xf32, #tpu.memory_space<hbm>> -> memref<128x16xf32, #tpu.memory_space<hbm>>
        %dma_start3A_119 = arith.constant 0 : i32
        %dma_start3A_120 = tpu.memref_slice %arg4[%add3A_44, %dma_start3A_119] : memref<1331200x16xf32, #tpu.memory_space<hbm>> -> memref<128x16xf32, #tpu.memory_space<hbm>>
        tpu.enqueue_dma source(%arg6 : memref<128x16xf32, #tpu.memory_space<vmem>>) target(%dma_start3A_120 : memref<128x16xf32, #tpu.memory_space<hbm>>) target_semaphore(%run_scoped3A : memref<!tpu.dma_semaphore, #tpu.memory_space<semaphore_mem>>)
        %dma_wait3A_121 = arith.constant 0 : i32
        %dma_wait3A_122 = tpu.memref_slice %arg4[%add3A_44, %dma_wait3A_121] : memref<1331200x16xf32, #tpu.memory_space<hbm>> -> memref<128x16xf32, #tpu.memory_space<hbm>>
        %dma_wait3A_123 = arith.constant 0 : i32
        %dma_wait3A_124 = tpu.memref_slice %arg4[%add3A_44, %dma_wait3A_123] : memref<1331200x16xf32, #tpu.memory_space<hbm>> -> memref<128x16xf32, #tpu.memory_space<hbm>>
        tpu.wait_dma2 semaphore(%run_scoped3A : memref<!tpu.dma_semaphore, #tpu.memory_space<semaphore_mem>>) src(%arg6 : memref<128x16xf32, #tpu.memory_space<vmem>>) dst(%dma_wait3A_124 : memref<128x16xf32, #tpu.memory_space<hbm>>)
        tpu.yield
      }) : () -> ()
      %add3A_45 = arith.constant 5 : i32
      %add3A_46 = arith.addi %add3A_37, %add3A_45 : i32
      %lt3A = arith.constant 325 : i32
      %lt3A_47 = arith.cmpi slt, %add3A_46, %lt3A : i32
      %convert_element_type3A = arith.extui %lt3A_47 : i1 to i32
      %cond3A = arith.constant 0 : i32
      %cond3A_48 = arith.cmpi ne, %convert_element_type3A, %cond3A : i32
      scf.if %cond3A_48 {
        %mul3A_117 = arith.constant 128 : i32
        %mul3A_118 = arith.muli %add3A_46, %mul3A_117 : i32
        %dma_start3A_119 = tpu.memref_slice %arg5[%mul3A_118] : memref<41600xi32, #tpu.memory_space<vmem>> -> memref<128xi32, #tpu.memory_space<vmem>>
        %dma_start3A_120 = arith.constant 0 : i32
        %dma_start3A_121 = arith.constant 0 : i32
        %dma_start3A_122 = tpu.memref_slice %arg2[%dma_start3A_120, %dma_start3A_121] : memref<1000000x16xf32, #tpu.memory_space<hbm>> -> memref<1000000x16xf32, #tpu.memory_space<hbm>>
        tpu.enqueue_indirect_dma source(%dma_start3A_122 : memref<1000000x16xf32, #tpu.memory_space<hbm>>) target(%arg6 : memref<128x16xf32, #tpu.memory_space<vmem>>) offsets(%dma_start3A_119 : memref<128xi32, #tpu.memory_space<vmem>>) semaphore(%arg11 : memref<!tpu.dma_semaphore, #tpu.memory_space<semaphore_mem>>)
      } else {
      }
      %add3A_49 = arith.constant 1 : i32
      %add3A_50 = arith.addi %add3A_35, %add3A_49 : i32
      %dma_wait3A_51 = arith.constant 0 : i32
      %dma_wait3A_52 = tpu.memref_slice %arg5[%dma_wait3A_51] : memref<41600xi32, #tpu.memory_space<vmem>> -> memref<128xi32, #tpu.memory_space<vmem>>
      %dma_wait3A_53 = arith.constant 0 : i32
      %dma_wait3A_54 = arith.constant 0 : i32
      %dma_wait3A_55 = tpu.memref_slice %arg2[%dma_wait3A_53, %dma_wait3A_54] : memref<1000000x16xf32, #tpu.memory_space<hbm>> -> memref<1000000x16xf32, #tpu.memory_space<hbm>>
      tpu.wait_indirect_dma semaphore(%arg12 : memref<!tpu.dma_semaphore, #tpu.memory_space<semaphore_mem>>) src(%dma_wait3A_55 : memref<1000000x16xf32, #tpu.memory_space<hbm>>) dst(%arg7 : memref<128x16xf32, #tpu.memory_space<vmem>>)
      %mul3A_56 = arith.constant 128 : i32
      %mul3A_57 = arith.muli %add3A_50, %mul3A_56 : i32
      %add3A_58 = arith.addi %mul3A_2, %mul3A_57 : i32
      "tpu.region"() ({
        %run_scoped3A = tpu.sem_alloc : memref<!tpu.dma_semaphore, #tpu.memory_space<semaphore_mem>>
        %dma_start3A_117 = arith.constant 0 : i32
        %dma_start3A_118 = tpu.memref_slice %arg4[%add3A_58, %dma_start3A_117] : memref<1331200x16xf32, #tpu.memory_space<hbm>> -> memref<128x16xf32, #tpu.memory_space<hbm>>
        %dma_start3A_119 = arith.constant 0 : i32
        %dma_start3A_120 = tpu.memref_slice %arg4[%add3A_58, %dma_start3A_119] : memref<1331200x16xf32, #tpu.memory_space<hbm>> -> memref<128x16xf32, #tpu.memory_space<hbm>>
        tpu.enqueue_dma source(%arg7 : memref<128x16xf32, #tpu.memory_space<vmem>>) target(%dma_start3A_120 : memref<128x16xf32, #tpu.memory_space<hbm>>) target_semaphore(%run_scoped3A : memref<!tpu.dma_semaphore, #tpu.memory_space<semaphore_mem>>)
        %dma_wait3A_121 = arith.constant 0 : i32
        %dma_wait3A_122 = tpu.memref_slice %arg4[%add3A_58, %dma_wait3A_121] : memref<1331200x16xf32, #tpu.memory_space<hbm>> -> memref<128x16xf32, #tpu.memory_space<hbm>>
        %dma_wait3A_123 = arith.constant 0 : i32
        %dma_wait3A_124 = tpu.memref_slice %arg4[%add3A_58, %dma_wait3A_123] : memref<1331200x16xf32, #tpu.memory_space<hbm>> -> memref<128x16xf32, #tpu.memory_space<hbm>>
        tpu.wait_dma2 semaphore(%run_scoped3A : memref<!tpu.dma_semaphore, #tpu.memory_space<semaphore_mem>>) src(%arg7 : memref<128x16xf32, #tpu.memory_space<vmem>>) dst(%dma_wait3A_124 : memref<128x16xf32, #tpu.memory_space<hbm>>)
        tpu.yield
      }) : () -> ()
      %add3A_59 = arith.constant 5 : i32
      %add3A_60 = arith.addi %add3A_50, %add3A_59 : i32
      %lt3A_61 = arith.constant 325 : i32
      %lt3A_62 = arith.cmpi slt, %add3A_60, %lt3A_61 : i32
      %convert_element_type3A_63 = arith.extui %lt3A_62 : i1 to i32
      %cond3A_64 = arith.constant 0 : i32
      %cond3A_65 = arith.cmpi ne, %convert_element_type3A_63, %cond3A_64 : i32
      scf.if %cond3A_65 {
        %mul3A_117 = arith.constant 128 : i32
        %mul3A_118 = arith.muli %add3A_60, %mul3A_117 : i32
        %dma_start3A_119 = tpu.memref_slice %arg5[%mul3A_118] : memref<41600xi32, #tpu.memory_space<vmem>> -> memref<128xi32, #tpu.memory_space<vmem>>
        %dma_start3A_120 = arith.constant 0 : i32
        %dma_start3A_121 = arith.constant 0 : i32
        %dma_start3A_122 = tpu.memref_slice %arg2[%dma_start3A_120, %dma_start3A_121] : memref<1000000x16xf32, #tpu.memory_space<hbm>> -> memref<1000000x16xf32, #tpu.memory_space<hbm>>
        tpu.enqueue_indirect_dma source(%dma_start3A_122 : memref<1000000x16xf32, #tpu.memory_space<hbm>>) target(%arg7 : memref<128x16xf32, #tpu.memory_space<vmem>>) offsets(%dma_start3A_119 : memref<128xi32, #tpu.memory_space<vmem>>) semaphore(%arg12 : memref<!tpu.dma_semaphore, #tpu.memory_space<semaphore_mem>>)
      } else {
      }
      %add3A_66 = arith.constant 2 : i32
      %add3A_67 = arith.addi %add3A_35, %add3A_66 : i32
      %dma_wait3A_68 = arith.constant 0 : i32
      %dma_wait3A_69 = tpu.memref_slice %arg5[%dma_wait3A_68] : memref<41600xi32, #tpu.memory_space<vmem>> -> memref<128xi32, #tpu.memory_space<vmem>>
      %dma_wait3A_70 = arith.constant 0 : i32
      %dma_wait3A_71 = arith.constant 0 : i32
      %dma_wait3A_72 = tpu.memref_slice %arg2[%dma_wait3A_70, %dma_wait3A_71] : memref<1000000x16xf32, #tpu.memory_space<hbm>> -> memref<1000000x16xf32, #tpu.memory_space<hbm>>
      tpu.wait_indirect_dma semaphore(%arg13 : memref<!tpu.dma_semaphore, #tpu.memory_space<semaphore_mem>>) src(%dma_wait3A_72 : memref<1000000x16xf32, #tpu.memory_space<hbm>>) dst(%arg8 : memref<128x16xf32, #tpu.memory_space<vmem>>)
      %mul3A_73 = arith.constant 128 : i32
      %mul3A_74 = arith.muli %add3A_67, %mul3A_73 : i32
      %add3A_75 = arith.addi %mul3A_2, %mul3A_74 : i32
      "tpu.region"() ({
        %run_scoped3A = tpu.sem_alloc : memref<!tpu.dma_semaphore, #tpu.memory_space<semaphore_mem>>
        %dma_start3A_117 = arith.constant 0 : i32
        %dma_start3A_118 = tpu.memref_slice %arg4[%add3A_75, %dma_start3A_117] : memref<1331200x16xf32, #tpu.memory_space<hbm>> -> memref<128x16xf32, #tpu.memory_space<hbm>>
        %dma_start3A_119 = arith.constant 0 : i32
        %dma_start3A_120 = tpu.memref_slice %arg4[%add3A_75, %dma_start3A_119] : memref<1331200x16xf32, #tpu.memory_space<hbm>> -> memref<128x16xf32, #tpu.memory_space<hbm>>
        tpu.enqueue_dma source(%arg8 : memref<128x16xf32, #tpu.memory_space<vmem>>) target(%dma_start3A_120 : memref<128x16xf32, #tpu.memory_space<hbm>>) target_semaphore(%run_scoped3A : memref<!tpu.dma_semaphore, #tpu.memory_space<semaphore_mem>>)
        %dma_wait3A_121 = arith.constant 0 : i32
        %dma_wait3A_122 = tpu.memref_slice %arg4[%add3A_75, %dma_wait3A_121] : memref<1331200x16xf32, #tpu.memory_space<hbm>> -> memref<128x16xf32, #tpu.memory_space<hbm>>
        %dma_wait3A_123 = arith.constant 0 : i32
        %dma_wait3A_124 = tpu.memref_slice %arg4[%add3A_75, %dma_wait3A_123] : memref<1331200x16xf32, #tpu.memory_space<hbm>> -> memref<128x16xf32, #tpu.memory_space<hbm>>
        tpu.wait_dma2 semaphore(%run_scoped3A : memref<!tpu.dma_semaphore, #tpu.memory_space<semaphore_mem>>) src(%arg8 : memref<128x16xf32, #tpu.memory_space<vmem>>) dst(%dma_wait3A_124 : memref<128x16xf32, #tpu.memory_space<hbm>>)
        tpu.yield
      }) : () -> ()
      %add3A_76 = arith.constant 5 : i32
      %add3A_77 = arith.addi %add3A_67, %add3A_76 : i32
      %lt3A_78 = arith.constant 325 : i32
      %lt3A_79 = arith.cmpi slt, %add3A_77, %lt3A_78 : i32
      %convert_element_type3A_80 = arith.extui %lt3A_79 : i1 to i32
      %cond3A_81 = arith.constant 0 : i32
      %cond3A_82 = arith.cmpi ne, %convert_element_type3A_80, %cond3A_81 : i32
      scf.if %cond3A_82 {
        %mul3A_117 = arith.constant 128 : i32
        %mul3A_118 = arith.muli %add3A_77, %mul3A_117 : i32
        %dma_start3A_119 = tpu.memref_slice %arg5[%mul3A_118] : memref<41600xi32, #tpu.memory_space<vmem>> -> memref<128xi32, #tpu.memory_space<vmem>>
        %dma_start3A_120 = arith.constant 0 : i32
        %dma_start3A_121 = arith.constant 0 : i32
        %dma_start3A_122 = tpu.memref_slice %arg2[%dma_start3A_120, %dma_start3A_121] : memref<1000000x16xf32, #tpu.memory_space<hbm>> -> memref<1000000x16xf32, #tpu.memory_space<hbm>>
        tpu.enqueue_indirect_dma source(%dma_start3A_122 : memref<1000000x16xf32, #tpu.memory_space<hbm>>) target(%arg8 : memref<128x16xf32, #tpu.memory_space<vmem>>) offsets(%dma_start3A_119 : memref<128xi32, #tpu.memory_space<vmem>>) semaphore(%arg13 : memref<!tpu.dma_semaphore, #tpu.memory_space<semaphore_mem>>)
      } else {
      }
      %add3A_83 = arith.constant 3 : i32
      %add3A_84 = arith.addi %add3A_35, %add3A_83 : i32
      %dma_wait3A_85 = arith.constant 0 : i32
      %dma_wait3A_86 = tpu.memref_slice %arg5[%dma_wait3A_85] : memref<41600xi32, #tpu.memory_space<vmem>> -> memref<128xi32, #tpu.memory_space<vmem>>
      %dma_wait3A_87 = arith.constant 0 : i32
      %dma_wait3A_88 = arith.constant 0 : i32
      %dma_wait3A_89 = tpu.memref_slice %arg2[%dma_wait3A_87, %dma_wait3A_88] : memref<1000000x16xf32, #tpu.memory_space<hbm>> -> memref<1000000x16xf32, #tpu.memory_space<hbm>>
      tpu.wait_indirect_dma semaphore(%arg14 : memref<!tpu.dma_semaphore, #tpu.memory_space<semaphore_mem>>) src(%dma_wait3A_89 : memref<1000000x16xf32, #tpu.memory_space<hbm>>) dst(%arg9 : memref<128x16xf32, #tpu.memory_space<vmem>>)
      %mul3A_90 = arith.constant 128 : i32
      %mul3A_91 = arith.muli %add3A_84, %mul3A_90 : i32
      %add3A_92 = arith.addi %mul3A_2, %mul3A_91 : i32
      "tpu.region"() ({
        %run_scoped3A = tpu.sem_alloc : memref<!tpu.dma_semaphore, #tpu.memory_space<semaphore_mem>>
        %dma_start3A_117 = arith.constant 0 : i32
        %dma_start3A_118 = tpu.memref_slice %arg4[%add3A_92, %dma_start3A_117] : memref<1331200x16xf32, #tpu.memory_space<hbm>> -> memref<128x16xf32, #tpu.memory_space<hbm>>
        %dma_start3A_119 = arith.constant 0 : i32
        %dma_start3A_120 = tpu.memref_slice %arg4[%add3A_92, %dma_start3A_119] : memref<1331200x16xf32, #tpu.memory_space<hbm>> -> memref<128x16xf32, #tpu.memory_space<hbm>>
        tpu.enqueue_dma source(%arg9 : memref<128x16xf32, #tpu.memory_space<vmem>>) target(%dma_start3A_120 : memref<128x16xf32, #tpu.memory_space<hbm>>) target_semaphore(%run_scoped3A : memref<!tpu.dma_semaphore, #tpu.memory_space<semaphore_mem>>)
        %dma_wait3A_121 = arith.constant 0 : i32
        %dma_wait3A_122 = tpu.memref_slice %arg4[%add3A_92, %dma_wait3A_121] : memref<1331200x16xf32, #tpu.memory_space<hbm>> -> memref<128x16xf32, #tpu.memory_space<hbm>>
        %dma_wait3A_123 = arith.constant 0 : i32
        %dma_wait3A_124 = tpu.memref_slice %arg4[%add3A_92, %dma_wait3A_123] : memref<1331200x16xf32, #tpu.memory_space<hbm>> -> memref<128x16xf32, #tpu.memory_space<hbm>>
        tpu.wait_dma2 semaphore(%run_scoped3A : memref<!tpu.dma_semaphore, #tpu.memory_space<semaphore_mem>>) src(%arg9 : memref<128x16xf32, #tpu.memory_space<vmem>>) dst(%dma_wait3A_124 : memref<128x16xf32, #tpu.memory_space<hbm>>)
        tpu.yield
      }) : () -> ()
      %add3A_93 = arith.constant 5 : i32
      %add3A_94 = arith.addi %add3A_84, %add3A_93 : i32
      %lt3A_95 = arith.constant 325 : i32
      %lt3A_96 = arith.cmpi slt, %add3A_94, %lt3A_95 : i32
      %convert_element_type3A_97 = arith.extui %lt3A_96 : i1 to i32
      %cond3A_98 = arith.constant 0 : i32
      %cond3A_99 = arith.cmpi ne, %convert_element_type3A_97, %cond3A_98 : i32
      scf.if %cond3A_99 {
        %mul3A_117 = arith.constant 128 : i32
        %mul3A_118 = arith.muli %add3A_94, %mul3A_117 : i32
        %dma_start3A_119 = tpu.memref_slice %arg5[%mul3A_118] : memref<41600xi32, #tpu.memory_space<vmem>> -> memref<128xi32, #tpu.memory_space<vmem>>
        %dma_start3A_120 = arith.constant 0 : i32
        %dma_start3A_121 = arith.constant 0 : i32
        %dma_start3A_122 = tpu.memref_slice %arg2[%dma_start3A_120, %dma_start3A_121] : memref<1000000x16xf32, #tpu.memory_space<hbm>> -> memref<1000000x16xf32, #tpu.memory_space<hbm>>
        tpu.enqueue_indirect_dma source(%dma_start3A_122 : memref<1000000x16xf32, #tpu.memory_space<hbm>>) target(%arg9 : memref<128x16xf32, #tpu.memory_space<vmem>>) offsets(%dma_start3A_119 : memref<128xi32, #tpu.memory_space<vmem>>) semaphore(%arg14 : memref<!tpu.dma_semaphore, #tpu.memory_space<semaphore_mem>>)
      } else {
      }
      %add3A_100 = arith.constant 4 : i32
      %add3A_101 = arith.addi %add3A_35, %add3A_100 : i32
      %dma_wait3A_102 = arith.constant 0 : i32
      %dma_wait3A_103 = tpu.memref_slice %arg5[%dma_wait3A_102] : memref<41600xi32, #tpu.memory_space<vmem>> -> memref<128xi32, #tpu.memory_space<vmem>>
      %dma_wait3A_104 = arith.constant 0 : i32
      %dma_wait3A_105 = arith.constant 0 : i32
      %dma_wait3A_106 = tpu.memref_slice %arg2[%dma_wait3A_104, %dma_wait3A_105] : memref<1000000x16xf32, #tpu.memory_space<hbm>> -> memref<1000000x16xf32, #tpu.memory_space<hbm>>
      tpu.wait_indirect_dma semaphore(%arg15 : memref<!tpu.dma_semaphore, #tpu.memory_space<semaphore_mem>>) src(%dma_wait3A_106 : memref<1000000x16xf32, #tpu.memory_space<hbm>>) dst(%arg10 : memref<128x16xf32, #tpu.memory_space<vmem>>)
      %mul3A_107 = arith.constant 128 : i32
      %mul3A_108 = arith.muli %add3A_101, %mul3A_107 : i32
      %add3A_109 = arith.addi %mul3A_2, %mul3A_108 : i32
      "tpu.region"() ({
        %run_scoped3A = tpu.sem_alloc : memref<!tpu.dma_semaphore, #tpu.memory_space<semaphore_mem>>
        %dma_start3A_117 = arith.constant 0 : i32
        %dma_start3A_118 = tpu.memref_slice %arg4[%add3A_109, %dma_start3A_117] : memref<1331200x16xf32, #tpu.memory_space<hbm>> -> memref<128x16xf32, #tpu.memory_space<hbm>>
        %dma_start3A_119 = arith.constant 0 : i32
        %dma_start3A_120 = tpu.memref_slice %arg4[%add3A_109, %dma_start3A_119] : memref<1331200x16xf32, #tpu.memory_space<hbm>> -> memref<128x16xf32, #tpu.memory_space<hbm>>
        tpu.enqueue_dma source(%arg10 : memref<128x16xf32, #tpu.memory_space<vmem>>) target(%dma_start3A_120 : memref<128x16xf32, #tpu.memory_space<hbm>>) target_semaphore(%run_scoped3A : memref<!tpu.dma_semaphore, #tpu.memory_space<semaphore_mem>>)
        %dma_wait3A_121 = arith.constant 0 : i32
        %dma_wait3A_122 = tpu.memref_slice %arg4[%add3A_109, %dma_wait3A_121] : memref<1331200x16xf32, #tpu.memory_space<hbm>> -> memref<128x16xf32, #tpu.memory_space<hbm>>
        %dma_wait3A_123 = arith.constant 0 : i32
        %dma_wait3A_124 = tpu.memref_slice %arg4[%add3A_109, %dma_wait3A_123] : memref<1331200x16xf32, #tpu.memory_space<hbm>> -> memref<128x16xf32, #tpu.memory_space<hbm>>
        tpu.wait_dma2 semaphore(%run_scoped3A : memref<!tpu.dma_semaphore, #tpu.memory_space<semaphore_mem>>) src(%arg10 : memref<128x16xf32, #tpu.memory_space<vmem>>) dst(%dma_wait3A_124 : memref<128x16xf32, #tpu.memory_space<hbm>>)
        tpu.yield
      }) : () -> ()
      %add3A_110 = arith.constant 5 : i32
      %add3A_111 = arith.addi %add3A_101, %add3A_110 : i32
      %lt3A_112 = arith.constant 325 : i32
      %lt3A_113 = arith.cmpi slt, %add3A_111, %lt3A_112 : i32
      %convert_element_type3A_114 = arith.extui %lt3A_113 : i1 to i32
      %cond3A_115 = arith.constant 0 : i32
      %cond3A_116 = arith.cmpi ne, %convert_element_type3A_114, %cond3A_115 : i32
      scf.if %cond3A_116 {
        %mul3A_117 = arith.constant 128 : i32
        %mul3A_118 = arith.muli %add3A_111, %mul3A_117 : i32
        %dma_start3A_119 = tpu.memref_slice %arg5[%mul3A_118] : memref<41600xi32, #tpu.memory_space<vmem>> -> memref<128xi32, #tpu.memory_space<vmem>>
        %dma_start3A_120 = arith.constant 0 : i32
        %dma_start3A_121 = arith.constant 0 : i32
        %dma_start3A_122 = tpu.memref_slice %arg2[%dma_start3A_120, %dma_start3A_121] : memref<1000000x16xf32, #tpu.memory_space<hbm>> -> memref<1000000x16xf32, #tpu.memory_space<hbm>>
        tpu.enqueue_indirect_dma source(%dma_start3A_122 : memref<1000000x16xf32, #tpu.memory_space<hbm>>) target(%arg10 : memref<128x16xf32, #tpu.memory_space<vmem>>) offsets(%dma_start3A_119 : memref<128xi32, #tpu.memory_space<vmem>>) semaphore(%arg15 : memref<!tpu.dma_semaphore, #tpu.memory_space<semaphore_mem>>)
      } else {
      }
    }
    %scan3A_30 = arith.constant 65 : i32
    return
  }
}

#map = affine_map<(d0, d1) -> (0, 0)>
module attributes {stable_mosaic.version = 14 : i64} {
  func.func @detile_kernel(%arg0: i32, %arg1: i32, %arg2: memref<16x1000000xf32, #tpu.memory_space<hbm>>, %arg3: memref<125000x128xf32, #tpu.memory_space<hbm>>, %arg4: memref<16x128xf32, #tpu.memory_space<vmem>>, %arg5: memref<16x128xf32, #tpu.memory_space<vmem>>, %arg6: memref<16x128xf32, #tpu.memory_space<vmem>>, %arg7: memref<16x128xf32, #tpu.memory_space<vmem>>, %arg8: memref<!tpu.dma_semaphore, #tpu.memory_space<semaphore_mem>>, %arg9: memref<!tpu.dma_semaphore, #tpu.memory_space<semaphore_mem>>, %arg10: memref<!tpu.dma_semaphore, #tpu.memory_space<semaphore_mem>>, %arg11: memref<!tpu.dma_semaphore, #tpu.memory_space<semaphore_mem>>) attributes {dimension_semantics = [#tpu.dimension_semantics<core_parallel>, #tpu.dimension_semantics<subcore_parallel>], iteration_bounds = array<i64: 2, 16>, scalar_prefetch = 0 : i64, scratch_operands = 8 : i64, tpu.core_type = #tpu.core_type<sc_vector_subcore>, window_params = [{transform_indices = #map}, {transform_indices = #map}]} {
    %mul3A = arith.constant 2 : i32
    %mul3A_0 = arith.muli %arg1, %mul3A : i32
    %add3A = arith.addi %mul3A_0, %arg0 : i32
    %iota3A = tpu.iota {dimensions = array<i32: 0>} : vector<16xi32>
    %add3A_1 = arith.constant 0 : i32
    %add3A_2 = arith.addi %add3A, %add3A_1 : i32
    %lt3A = arith.constant 7812 : i32
    %lt3A_3 = arith.cmpi slt, %add3A_2, %lt3A : i32
    %convert_element_type3A = arith.extui %lt3A_3 : i1 to i32
    %cond3A = arith.constant 0 : i32
    %cond3A_4 = arith.cmpi ne, %convert_element_type3A, %cond3A : i32
    scf.if %cond3A_4 {
      %add3A_41 = arith.constant 0 : i32
      %add3A_42 = arith.addi %add3A, %add3A_41 : i32
      %mul3A_43 = arith.constant 128 : i32
      %mul3A_44 = arith.muli %add3A_42, %mul3A_43 : i32
      %dma_start3A = arith.constant 0 : i32
      %dma_start3A_45 = tpu.memref_slice %arg2[%dma_start3A, %mul3A_44] : memref<16x1000000xf32, #tpu.memory_space<hbm>> -> memref<16x128xf32, #tpu.memory_space<hbm>>
      %dma_start3A_46 = arith.constant 0 : i32
      %dma_start3A_47 = tpu.memref_slice %arg2[%dma_start3A_46, %mul3A_44] : memref<16x1000000xf32, #tpu.memory_space<hbm>> -> memref<16x128xf32, #tpu.memory_space<hbm>>
      tpu.enqueue_dma source(%dma_start3A_47 : memref<16x128xf32, #tpu.memory_space<hbm>>) target(%arg4 : memref<16x128xf32, #tpu.memory_space<vmem>>) target_semaphore(%arg8 : memref<!tpu.dma_semaphore, #tpu.memory_space<semaphore_mem>>)
    } else {
    }
    %add3A_5 = arith.constant 32 : i32
    %add3A_6 = arith.addi %add3A, %add3A_5 : i32
    %lt3A_7 = arith.constant 7812 : i32
    %lt3A_8 = arith.cmpi slt, %add3A_6, %lt3A_7 : i32
    %convert_element_type3A_9 = arith.extui %lt3A_8 : i1 to i32
    %cond3A_10 = arith.constant 0 : i32
    %cond3A_11 = arith.cmpi ne, %convert_element_type3A_9, %cond3A_10 : i32
    scf.if %cond3A_11 {
      %add3A_41 = arith.constant 32 : i32
      %add3A_42 = arith.addi %add3A, %add3A_41 : i32
      %mul3A_43 = arith.constant 128 : i32
      %mul3A_44 = arith.muli %add3A_42, %mul3A_43 : i32
      %dma_start3A = arith.constant 0 : i32
      %dma_start3A_45 = tpu.memref_slice %arg2[%dma_start3A, %mul3A_44] : memref<16x1000000xf32, #tpu.memory_space<hbm>> -> memref<16x128xf32, #tpu.memory_space<hbm>>
      %dma_start3A_46 = arith.constant 0 : i32
      %dma_start3A_47 = tpu.memref_slice %arg2[%dma_start3A_46, %mul3A_44] : memref<16x1000000xf32, #tpu.memory_space<hbm>> -> memref<16x128xf32, #tpu.memory_space<hbm>>
      tpu.enqueue_dma source(%dma_start3A_47 : memref<16x128xf32, #tpu.memory_space<hbm>>) target(%arg5 : memref<16x128xf32, #tpu.memory_space<vmem>>) target_semaphore(%arg9 : memref<!tpu.dma_semaphore, #tpu.memory_space<semaphore_mem>>)
    } else {
    }
    %sub3A = arith.constant 7812 : i32
    %sub3A_12 = arith.subi %sub3A, %add3A : i32
    %sub3A_13 = arith.constant 64 : i32
    %sub3A_14 = arith.constant 1 : i32
    %sub3A_15 = arith.subi %sub3A_13, %sub3A_14 : i32
    %add3A_16 = arith.addi %sub3A_12, %sub3A_15 : i32
    %div3A = arith.constant 64 : i32
    %div3A_17 = arith.divsi %add3A_16, %div3A : i32
    %while3A = arith.constant 64 : i32
    %while3A_18 = arith.constant 0 : i32
    %while3A_19 = arith.subi %div3A_17, %while3A_18 : i32
    %while3A_20 = arith.addi %while3A_18, %while3A_19 : i32
    %while3A_21 = arith.constant 1 : i32
    %while3A_22 = arith.divsi %while3A_19, %while3A_21 : i32
    %while3A_23 = arith.muli %while3A_22, %while3A_21 : i32
    %while3A_24 = arith.addi %while3A_18, %while3A_23 : i32
    %while3A_25 = arith.constant 1 : i32
    scf.for %while3A_41 = %while3A_18 to %while3A_24 step %while3A_25  : i32 {
      %mul3A_42 = arith.muli %while3A_41, %while3A : i32
      %add3A_43 = arith.addi %add3A, %mul3A_42 : i32
      %add3A_44 = arith.constant 0 : i32
      %add3A_45 = arith.addi %add3A_43, %add3A_44 : i32
      %lt3A_46 = arith.constant 7812 : i32
      %lt3A_47 = arith.cmpi slt, %add3A_45, %lt3A_46 : i32
      %convert_element_type3A_48 = arith.extui %lt3A_47 : i1 to i32
      %cond3A_49 = arith.constant 0 : i32
      %cond3A_50 = arith.cmpi ne, %convert_element_type3A_48, %cond3A_49 : i32
      scf.if %cond3A_50 {
        %dma_wait3A = arith.constant 0 : i32
        %dma_wait3A_58 = arith.constant 0 : i32
        %dma_wait3A_59 = tpu.memref_slice %arg2[%dma_wait3A, %dma_wait3A_58] : memref<16x1000000xf32, #tpu.memory_space<hbm>> -> memref<16x128xf32, #tpu.memory_space<hbm>>
        %dma_wait3A_60 = arith.constant 0 : i32
        %dma_wait3A_61 = arith.constant 0 : i32
        %dma_wait3A_62 = tpu.memref_slice %arg2[%dma_wait3A_60, %dma_wait3A_61] : memref<16x1000000xf32, #tpu.memory_space<hbm>> -> memref<16x128xf32, #tpu.memory_space<hbm>>
        tpu.wait_dma2 semaphore(%arg8 : memref<!tpu.dma_semaphore, #tpu.memory_space<semaphore_mem>>) src(%dma_wait3A_62 : memref<16x128xf32, #tpu.memory_space<hbm>>) dst(%arg4 : memref<16x128xf32, #tpu.memory_space<vmem>>)
        %add3A_63 = arith.constant 64 : i32
        %add3A_64 = arith.addi %add3A, %add3A_63 : i32
        %ge3A = arith.cmpi sge, %add3A_45, %add3A_64 : i32
        %convert_element_type3A_65 = arith.extui %ge3A : i1 to i32
        %cond3A_66 = arith.constant 0 : i32
        %cond3A_67 = arith.cmpi ne, %convert_element_type3A_65, %cond3A_66 : i32
        scf.if %cond3A_67 {
          %dma_wait3A_84 = arith.constant 0 : i32
          %dma_wait3A_85 = arith.constant 0 : i32
          %dma_wait3A_86 = tpu.memref_slice %arg3[%dma_wait3A_84, %dma_wait3A_85] : memref<125000x128xf32, #tpu.memory_space<hbm>> -> memref<16x128xf32, #tpu.memory_space<hbm>>
          %dma_wait3A_87 = arith.constant 0 : i32
          %dma_wait3A_88 = arith.constant 0 : i32
          %dma_wait3A_89 = tpu.memref_slice %arg3[%dma_wait3A_87, %dma_wait3A_88] : memref<125000x128xf32, #tpu.memory_space<hbm>> -> memref<16x128xf32, #tpu.memory_space<hbm>>
          tpu.wait_dma2 semaphore(%arg10 : memref<!tpu.dma_semaphore, #tpu.memory_space<semaphore_mem>>) src(%arg6 : memref<16x128xf32, #tpu.memory_space<vmem>>) dst(%dma_wait3A_89 : memref<16x128xf32, #tpu.memory_space<hbm>>)
        } else {
        }
        %scan3A = arith.constant 0 : i32
        %scan3A_68 = arith.constant 16 : i32
        %scan3A_69 = arith.addi %scan3A, %scan3A_68 : i32
        %scan3A_70 = arith.constant 1 : i32
        scf.for %scan3A_84 = %scan3A to %scan3A_69 step %scan3A_70  : i32 {
          %mul3A_85 = arith.constant 1 : i32
          %mul3A_86 = arith.muli %scan3A_84, %mul3A_85 : i32
          %add3A_87 = arith.constant 0 : i32
          %add3A_88 = arith.addi %add3A_87, %mul3A_86 : i32
          %mul3A_89 = arith.constant 8 : i32
          %mul3A_90 = arith.muli %mul3A_89, %add3A_88 : i32
          %add3A_91 = arith.constant 0 : i32
          %add3A_92 = arith.addi %mul3A_90, %add3A_91 : i32
          %broadcast_in_dim3A = vector.broadcast %add3A_92 : i32 to vector<16xi32>
          %gather3A = tpu.vector_load_idx %arg4[%iota3A, %broadcast_in_dim3A] : memref<16x128xf32, #tpu.memory_space<vmem>>[vector<16xi32>, vector<16xi32>], vector<16xf32>,
          %swap3A = arith.index_cast %add3A_88 : i32 to index
          %swap3A_93 = arith.constant 0 : index
          %swap3A_94 = tpu.vector_load %arg6[%swap3A, %swap3A_93] {strides = array<i32>} : memref<16x128xf32, #tpu.memory_space<vmem>>, vector<16xf32>,
          tpu.vector_store %arg6[%swap3A, %swap3A_93], %gather3A {strides = array<i32>} : memref<16x128xf32, #tpu.memory_space<vmem>>, vector<16xf32>,
          %mul3A_95 = arith.constant 8 : i32
          %mul3A_96 = arith.muli %mul3A_95, %add3A_88 : i32
          %add3A_97 = arith.constant 1 : i32
          %add3A_98 = arith.addi %mul3A_96, %add3A_97 : i32
          %broadcast_in_dim3A_99 = vector.broadcast %add3A_98 : i32 to vector<16xi32>
          %gather3A_100 = tpu.vector_load_idx %arg4[%iota3A, %broadcast_in_dim3A_99] : memref<16x128xf32, #tpu.memory_space<vmem>>[vector<16xi32>, vector<16xi32>], vector<16xf32>,
          %swap3A_101 = arith.index_cast %add3A_88 : i32 to index
          %swap3A_102 = arith.constant 16 : index
          %swap3A_103 = tpu.vector_load %arg6[%swap3A_101, %swap3A_102] {strides = array<i32>} : memref<16x128xf32, #tpu.memory_space<vmem>>, vector<16xf32>,
          tpu.vector_store %arg6[%swap3A_101, %swap3A_102], %gather3A_100 {strides = array<i32>} : memref<16x128xf32, #tpu.memory_space<vmem>>, vector<16xf32>,
          %mul3A_104 = arith.constant 8 : i32
          %mul3A_105 = arith.muli %mul3A_104, %add3A_88 : i32
          %add3A_106 = arith.constant 2 : i32
          %add3A_107 = arith.addi %mul3A_105, %add3A_106 : i32
          %broadcast_in_dim3A_108 = vector.broadcast %add3A_107 : i32 to vector<16xi32>
          %gather3A_109 = tpu.vector_load_idx %arg4[%iota3A, %broadcast_in_dim3A_108] : memref<16x128xf32, #tpu.memory_space<vmem>>[vector<16xi32>, vector<16xi32>], vector<16xf32>,
          %swap3A_110 = arith.index_cast %add3A_88 : i32 to index
          %swap3A_111 = arith.constant 32 : index
          %swap3A_112 = tpu.vector_load %arg6[%swap3A_110, %swap3A_111] {strides = array<i32>} : memref<16x128xf32, #tpu.memory_space<vmem>>, vector<16xf32>,
          tpu.vector_store %arg6[%swap3A_110, %swap3A_111], %gather3A_109 {strides = array<i32>} : memref<16x128xf32, #tpu.memory_space<vmem>>, vector<16xf32>,
          %mul3A_113 = arith.constant 8 : i32
          %mul3A_114 = arith.muli %mul3A_113, %add3A_88 : i32
          %add3A_115 = arith.constant 3 : i32
          %add3A_116 = arith.addi %mul3A_114, %add3A_115 : i32
          %broadcast_in_dim3A_117 = vector.broadcast %add3A_116 : i32 to vector<16xi32>
          %gather3A_118 = tpu.vector_load_idx %arg4[%iota3A, %broadcast_in_dim3A_117] : memref<16x128xf32, #tpu.memory_space<vmem>>[vector<16xi32>, vector<16xi32>], vector<16xf32>,
          %swap3A_119 = arith.index_cast %add3A_88 : i32 to index
          %swap3A_120 = arith.constant 48 : index
          %swap3A_121 = tpu.vector_load %arg6[%swap3A_119, %swap3A_120] {strides = array<i32>} : memref<16x128xf32, #tpu.memory_space<vmem>>, vector<16xf32>,
          tpu.vector_store %arg6[%swap3A_119, %swap3A_120], %gather3A_118 {strides = array<i32>} : memref<16x128xf32, #tpu.memory_space<vmem>>, vector<16xf32>,
          %mul3A_122 = arith.constant 8 : i32
          %mul3A_123 = arith.muli %mul3A_122, %add3A_88 : i32
          %add3A_124 = arith.constant 4 : i32
          %add3A_125 = arith.addi %mul3A_123, %add3A_124 : i32
          %broadcast_in_dim3A_126 = vector.broadcast %add3A_125 : i32 to vector<16xi32>
          %gather3A_127 = tpu.vector_load_idx %arg4[%iota3A, %broadcast_in_dim3A_126] : memref<16x128xf32, #tpu.memory_space<vmem>>[vector<16xi32>, vector<16xi32>], vector<16xf32>,
          %swap3A_128 = arith.index_cast %add3A_88 : i32 to index
          %swap3A_129 = arith.constant 64 : index
          %swap3A_130 = tpu.vector_load %arg6[%swap3A_128, %swap3A_129] {strides = array<i32>} : memref<16x128xf32, #tpu.memory_space<vmem>>, vector<16xf32>,
          tpu.vector_store %arg6[%swap3A_128, %swap3A_129], %gather3A_127 {strides = array<i32>} : memref<16x128xf32, #tpu.memory_space<vmem>>, vector<16xf32>,
          %mul3A_131 = arith.constant 8 : i32
          %mul3A_132 = arith.muli %mul3A_131, %add3A_88 : i32
          %add3A_133 = arith.constant 5 : i32
          %add3A_134 = arith.addi %mul3A_132, %add3A_133 : i32
          %broadcast_in_dim3A_135 = vector.broadcast %add3A_134 : i32 to vector<16xi32>
          %gather3A_136 = tpu.vector_load_idx %arg4[%iota3A, %broadcast_in_dim3A_135] : memref<16x128xf32, #tpu.memory_space<vmem>>[vector<16xi32>, vector<16xi32>], vector<16xf32>,
          %swap3A_137 = arith.index_cast %add3A_88 : i32 to index
          %swap3A_138 = arith.constant 80 : index
          %swap3A_139 = tpu.vector_load %arg6[%swap3A_137, %swap3A_138] {strides = array<i32>} : memref<16x128xf32, #tpu.memory_space<vmem>>, vector<16xf32>,
          tpu.vector_store %arg6[%swap3A_137, %swap3A_138], %gather3A_136 {strides = array<i32>} : memref<16x128xf32, #tpu.memory_space<vmem>>, vector<16xf32>,
          %mul3A_140 = arith.constant 8 : i32
          %mul3A_141 = arith.muli %mul3A_140, %add3A_88 : i32
          %add3A_142 = arith.constant 6 : i32
          %add3A_143 = arith.addi %mul3A_141, %add3A_142 : i32
          %broadcast_in_dim3A_144 = vector.broadcast %add3A_143 : i32 to vector<16xi32>
          %gather3A_145 = tpu.vector_load_idx %arg4[%iota3A, %broadcast_in_dim3A_144] : memref<16x128xf32, #tpu.memory_space<vmem>>[vector<16xi32>, vector<16xi32>], vector<16xf32>,
          %swap3A_146 = arith.index_cast %add3A_88 : i32 to index
          %swap3A_147 = arith.constant 96 : index
          %swap3A_148 = tpu.vector_load %arg6[%swap3A_146, %swap3A_147] {strides = array<i32>} : memref<16x128xf32, #tpu.memory_space<vmem>>, vector<16xf32>,
          tpu.vector_store %arg6[%swap3A_146, %swap3A_147], %gather3A_145 {strides = array<i32>} : memref<16x128xf32, #tpu.memory_space<vmem>>, vector<16xf32>,
          %mul3A_149 = arith.constant 8 : i32
          %mul3A_150 = arith.muli %mul3A_149, %add3A_88 : i32
          %add3A_151 = arith.constant 7 : i32
          %add3A_152 = arith.addi %mul3A_150, %add3A_151 : i32
          %broadcast_in_dim3A_153 = vector.broadcast %add3A_152 : i32 to vector<16xi32>
          %gather3A_154 = tpu.vector_load_idx %arg4[%iota3A, %broadcast_in_dim3A_153] : memref<16x128xf32, #tpu.memory_space<vmem>>[vector<16xi32>, vector<16xi32>], vector<16xf32>,
          %swap3A_155 = arith.index_cast %add3A_88 : i32 to index
          %swap3A_156 = arith.constant 112 : index
          %swap3A_157 = tpu.vector_load %arg6[%swap3A_155, %swap3A_156] {strides = array<i32>} : memref<16x128xf32, #tpu.memory_space<vmem>>, vector<16xf32>,
          tpu.vector_store %arg6[%swap3A_155, %swap3A_156], %gather3A_154 {strides = array<i32>} : memref<16x128xf32, #tpu.memory_space<vmem>>, vector<16xf32>,
        }
        %scan3A_71 = arith.constant 16 : i32
        %add3A_72 = arith.constant 64 : i32
        %add3A_73 = arith.addi %add3A_45, %add3A_72 : i32
        %lt3A_74 = arith.constant 7812 : i32
        %lt3A_75 = arith.cmpi slt, %add3A_73, %lt3A_74 : i32
        %convert_element_type3A_76 = arith.extui %lt3A_75 : i1 to i32
        %cond3A_77 = arith.constant 0 : i32
        %cond3A_78 = arith.cmpi ne, %convert_element_type3A_76, %cond3A_77 : i32
        scf.if %cond3A_78 {
          %add3A_84 = arith.constant 64 : i32
          %add3A_85 = arith.addi %add3A_45, %add3A_84 : i32
          %mul3A_86 = arith.constant 128 : i32
          %mul3A_87 = arith.muli %add3A_85, %mul3A_86 : i32
          %dma_start3A_88 = arith.constant 0 : i32
          %dma_start3A_89 = tpu.memref_slice %arg2[%dma_start3A_88, %mul3A_87] : memref<16x1000000xf32, #tpu.memory_space<hbm>> -> memref<16x128xf32, #tpu.memory_space<hbm>>
          %dma_start3A_90 = arith.constant 0 : i32
          %dma_start3A_91 = tpu.memref_slice %arg2[%dma_start3A_90, %mul3A_87] : memref<16x1000000xf32, #tpu.memory_space<hbm>> -> memref<16x128xf32, #tpu.memory_space<hbm>>
          tpu.enqueue_dma source(%dma_start3A_91 : memref<16x128xf32, #tpu.memory_space<hbm>>) target(%arg4 : memref<16x128xf32, #tpu.memory_space<vmem>>) target_semaphore(%arg8 : memref<!tpu.dma_semaphore, #tpu.memory_space<semaphore_mem>>)
        } else {
        }
        %mul3A_79 = arith.constant 16 : i32
        %mul3A_80 = arith.muli %add3A_45, %mul3A_79 : i32
        %dma_start3A = arith.constant 0 : i32
        %dma_start3A_81 = tpu.memref_slice %arg3[%mul3A_80, %dma_start3A] : memref<125000x128xf32, #tpu.memory_space<hbm>> -> memref<16x128xf32, #tpu.memory_space<hbm>>
        %dma_start3A_82 = arith.constant 0 : i32
        %dma_start3A_83 = tpu.memref_slice %arg3[%mul3A_80, %dma_start3A_82] : memref<125000x128xf32, #tpu.memory_space<hbm>> -> memref<16x128xf32, #tpu.memory_space<hbm>>
        tpu.enqueue_dma source(%arg6 : memref<16x128xf32, #tpu.memory_space<vmem>>) target(%dma_start3A_83 : memref<16x128xf32, #tpu.memory_space<hbm>>) target_semaphore(%arg10 : memref<!tpu.dma_semaphore, #tpu.memory_space<semaphore_mem>>)
      } else {
      }
      %add3A_51 = arith.constant 32 : i32
      %add3A_52 = arith.addi %add3A_43, %add3A_51 : i32
      %lt3A_53 = arith.constant 7812 : i32
      %lt3A_54 = arith.cmpi slt, %add3A_52, %lt3A_53 : i32
      %convert_element_type3A_55 = arith.extui %lt3A_54 : i1 to i32
      %cond3A_56 = arith.constant 0 : i32
      %cond3A_57 = arith.cmpi ne, %convert_element_type3A_55, %cond3A_56 : i32
      scf.if %cond3A_57 {
        %dma_wait3A = arith.constant 0 : i32
        %dma_wait3A_58 = arith.constant 0 : i32
        %dma_wait3A_59 = tpu.memref_slice %arg2[%dma_wait3A, %dma_wait3A_58] : memref<16x1000000xf32, #tpu.memory_space<hbm>> -> memref<16x128xf32, #tpu.memory_space<hbm>>
        %dma_wait3A_60 = arith.constant 0 : i32
        %dma_wait3A_61 = arith.constant 0 : i32
        %dma_wait3A_62 = tpu.memref_slice %arg2[%dma_wait3A_60, %dma_wait3A_61] : memref<16x1000000xf32, #tpu.memory_space<hbm>> -> memref<16x128xf32, #tpu.memory_space<hbm>>
        tpu.wait_dma2 semaphore(%arg9 : memref<!tpu.dma_semaphore, #tpu.memory_space<semaphore_mem>>) src(%dma_wait3A_62 : memref<16x128xf32, #tpu.memory_space<hbm>>) dst(%arg5 : memref<16x128xf32, #tpu.memory_space<vmem>>)
        %add3A_63 = arith.constant 64 : i32
        %add3A_64 = arith.addi %add3A, %add3A_63 : i32
        %ge3A = arith.cmpi sge, %add3A_52, %add3A_64 : i32
        %convert_element_type3A_65 = arith.extui %ge3A : i1 to i32
        %cond3A_66 = arith.constant 0 : i32
        %cond3A_67 = arith.cmpi ne, %convert_element_type3A_65, %cond3A_66 : i32
        scf.if %cond3A_67 {
          %dma_wait3A_84 = arith.constant 0 : i32
          %dma_wait3A_85 = arith.constant 0 : i32
          %dma_wait3A_86 = tpu.memref_slice %arg3[%dma_wait3A_84, %dma_wait3A_85] : memref<125000x128xf32, #tpu.memory_space<hbm>> -> memref<16x128xf32, #tpu.memory_space<hbm>>
          %dma_wait3A_87 = arith.constant 0 : i32
          %dma_wait3A_88 = arith.constant 0 : i32
          %dma_wait3A_89 = tpu.memref_slice %arg3[%dma_wait3A_87, %dma_wait3A_88] : memref<125000x128xf32, #tpu.memory_space<hbm>> -> memref<16x128xf32, #tpu.memory_space<hbm>>
          tpu.wait_dma2 semaphore(%arg11 : memref<!tpu.dma_semaphore, #tpu.memory_space<semaphore_mem>>) src(%arg7 : memref<16x128xf32, #tpu.memory_space<vmem>>) dst(%dma_wait3A_89 : memref<16x128xf32, #tpu.memory_space<hbm>>)
        } else {
        }
        %scan3A = arith.constant 0 : i32
        %scan3A_68 = arith.constant 16 : i32
        %scan3A_69 = arith.addi %scan3A, %scan3A_68 : i32
        %scan3A_70 = arith.constant 1 : i32
        scf.for %scan3A_84 = %scan3A to %scan3A_69 step %scan3A_70  : i32 {
          %mul3A_85 = arith.constant 1 : i32
          %mul3A_86 = arith.muli %scan3A_84, %mul3A_85 : i32
          %add3A_87 = arith.constant 0 : i32
          %add3A_88 = arith.addi %add3A_87, %mul3A_86 : i32
          %mul3A_89 = arith.constant 8 : i32
          %mul3A_90 = arith.muli %mul3A_89, %add3A_88 : i32
          %add3A_91 = arith.constant 0 : i32
          %add3A_92 = arith.addi %mul3A_90, %add3A_91 : i32
          %broadcast_in_dim3A = vector.broadcast %add3A_92 : i32 to vector<16xi32>
          %gather3A = tpu.vector_load_idx %arg5[%iota3A, %broadcast_in_dim3A] : memref<16x128xf32, #tpu.memory_space<vmem>>[vector<16xi32>, vector<16xi32>], vector<16xf32>,
          %swap3A = arith.index_cast %add3A_88 : i32 to index
          %swap3A_93 = arith.constant 0 : index
          %swap3A_94 = tpu.vector_load %arg7[%swap3A, %swap3A_93] {strides = array<i32>} : memref<16x128xf32, #tpu.memory_space<vmem>>, vector<16xf32>,
          tpu.vector_store %arg7[%swap3A, %swap3A_93], %gather3A {strides = array<i32>} : memref<16x128xf32, #tpu.memory_space<vmem>>, vector<16xf32>,
          %mul3A_95 = arith.constant 8 : i32
          %mul3A_96 = arith.muli %mul3A_95, %add3A_88 : i32
          %add3A_97 = arith.constant 1 : i32
          %add3A_98 = arith.addi %mul3A_96, %add3A_97 : i32
          %broadcast_in_dim3A_99 = vector.broadcast %add3A_98 : i32 to vector<16xi32>
          %gather3A_100 = tpu.vector_load_idx %arg5[%iota3A, %broadcast_in_dim3A_99] : memref<16x128xf32, #tpu.memory_space<vmem>>[vector<16xi32>, vector<16xi32>], vector<16xf32>,
          %swap3A_101 = arith.index_cast %add3A_88 : i32 to index
          %swap3A_102 = arith.constant 16 : index
          %swap3A_103 = tpu.vector_load %arg7[%swap3A_101, %swap3A_102] {strides = array<i32>} : memref<16x128xf32, #tpu.memory_space<vmem>>, vector<16xf32>,
          tpu.vector_store %arg7[%swap3A_101, %swap3A_102], %gather3A_100 {strides = array<i32>} : memref<16x128xf32, #tpu.memory_space<vmem>>, vector<16xf32>,
          %mul3A_104 = arith.constant 8 : i32
          %mul3A_105 = arith.muli %mul3A_104, %add3A_88 : i32
          %add3A_106 = arith.constant 2 : i32
          %add3A_107 = arith.addi %mul3A_105, %add3A_106 : i32
          %broadcast_in_dim3A_108 = vector.broadcast %add3A_107 : i32 to vector<16xi32>
          %gather3A_109 = tpu.vector_load_idx %arg5[%iota3A, %broadcast_in_dim3A_108] : memref<16x128xf32, #tpu.memory_space<vmem>>[vector<16xi32>, vector<16xi32>], vector<16xf32>,
          %swap3A_110 = arith.index_cast %add3A_88 : i32 to index
          %swap3A_111 = arith.constant 32 : index
          %swap3A_112 = tpu.vector_load %arg7[%swap3A_110, %swap3A_111] {strides = array<i32>} : memref<16x128xf32, #tpu.memory_space<vmem>>, vector<16xf32>,
          tpu.vector_store %arg7[%swap3A_110, %swap3A_111], %gather3A_109 {strides = array<i32>} : memref<16x128xf32, #tpu.memory_space<vmem>>, vector<16xf32>,
          %mul3A_113 = arith.constant 8 : i32
          %mul3A_114 = arith.muli %mul3A_113, %add3A_88 : i32
          %add3A_115 = arith.constant 3 : i32
          %add3A_116 = arith.addi %mul3A_114, %add3A_115 : i32
          %broadcast_in_dim3A_117 = vector.broadcast %add3A_116 : i32 to vector<16xi32>
          %gather3A_118 = tpu.vector_load_idx %arg5[%iota3A, %broadcast_in_dim3A_117] : memref<16x128xf32, #tpu.memory_space<vmem>>[vector<16xi32>, vector<16xi32>], vector<16xf32>,
          %swap3A_119 = arith.index_cast %add3A_88 : i32 to index
          %swap3A_120 = arith.constant 48 : index
          %swap3A_121 = tpu.vector_load %arg7[%swap3A_119, %swap3A_120] {strides = array<i32>} : memref<16x128xf32, #tpu.memory_space<vmem>>, vector<16xf32>,
          tpu.vector_store %arg7[%swap3A_119, %swap3A_120], %gather3A_118 {strides = array<i32>} : memref<16x128xf32, #tpu.memory_space<vmem>>, vector<16xf32>,
          %mul3A_122 = arith.constant 8 : i32
          %mul3A_123 = arith.muli %mul3A_122, %add3A_88 : i32
          %add3A_124 = arith.constant 4 : i32
          %add3A_125 = arith.addi %mul3A_123, %add3A_124 : i32
          %broadcast_in_dim3A_126 = vector.broadcast %add3A_125 : i32 to vector<16xi32>
          %gather3A_127 = tpu.vector_load_idx %arg5[%iota3A, %broadcast_in_dim3A_126] : memref<16x128xf32, #tpu.memory_space<vmem>>[vector<16xi32>, vector<16xi32>], vector<16xf32>,
          %swap3A_128 = arith.index_cast %add3A_88 : i32 to index
          %swap3A_129 = arith.constant 64 : index
          %swap3A_130 = tpu.vector_load %arg7[%swap3A_128, %swap3A_129] {strides = array<i32>} : memref<16x128xf32, #tpu.memory_space<vmem>>, vector<16xf32>,
          tpu.vector_store %arg7[%swap3A_128, %swap3A_129], %gather3A_127 {strides = array<i32>} : memref<16x128xf32, #tpu.memory_space<vmem>>, vector<16xf32>,
          %mul3A_131 = arith.constant 8 : i32
          %mul3A_132 = arith.muli %mul3A_131, %add3A_88 : i32
          %add3A_133 = arith.constant 5 : i32
          %add3A_134 = arith.addi %mul3A_132, %add3A_133 : i32
          %broadcast_in_dim3A_135 = vector.broadcast %add3A_134 : i32 to vector<16xi32>
          %gather3A_136 = tpu.vector_load_idx %arg5[%iota3A, %broadcast_in_dim3A_135] : memref<16x128xf32, #tpu.memory_space<vmem>>[vector<16xi32>, vector<16xi32>], vector<16xf32>,
          %swap3A_137 = arith.index_cast %add3A_88 : i32 to index
          %swap3A_138 = arith.constant 80 : index
          %swap3A_139 = tpu.vector_load %arg7[%swap3A_137, %swap3A_138] {strides = array<i32>} : memref<16x128xf32, #tpu.memory_space<vmem>>, vector<16xf32>,
          tpu.vector_store %arg7[%swap3A_137, %swap3A_138], %gather3A_136 {strides = array<i32>} : memref<16x128xf32, #tpu.memory_space<vmem>>, vector<16xf32>,
          %mul3A_140 = arith.constant 8 : i32
          %mul3A_141 = arith.muli %mul3A_140, %add3A_88 : i32
          %add3A_142 = arith.constant 6 : i32
          %add3A_143 = arith.addi %mul3A_141, %add3A_142 : i32
          %broadcast_in_dim3A_144 = vector.broadcast %add3A_143 : i32 to vector<16xi32>
          %gather3A_145 = tpu.vector_load_idx %arg5[%iota3A, %broadcast_in_dim3A_144] : memref<16x128xf32, #tpu.memory_space<vmem>>[vector<16xi32>, vector<16xi32>], vector<16xf32>,
          %swap3A_146 = arith.index_cast %add3A_88 : i32 to index
          %swap3A_147 = arith.constant 96 : index
          %swap3A_148 = tpu.vector_load %arg7[%swap3A_146, %swap3A_147] {strides = array<i32>} : memref<16x128xf32, #tpu.memory_space<vmem>>, vector<16xf32>,
          tpu.vector_store %arg7[%swap3A_146, %swap3A_147], %gather3A_145 {strides = array<i32>} : memref<16x128xf32, #tpu.memory_space<vmem>>, vector<16xf32>,
          %mul3A_149 = arith.constant 8 : i32
          %mul3A_150 = arith.muli %mul3A_149, %add3A_88 : i32
          %add3A_151 = arith.constant 7 : i32
          %add3A_152 = arith.addi %mul3A_150, %add3A_151 : i32
          %broadcast_in_dim3A_153 = vector.broadcast %add3A_152 : i32 to vector<16xi32>
          %gather3A_154 = tpu.vector_load_idx %arg5[%iota3A, %broadcast_in_dim3A_153] : memref<16x128xf32, #tpu.memory_space<vmem>>[vector<16xi32>, vector<16xi32>], vector<16xf32>,
          %swap3A_155 = arith.index_cast %add3A_88 : i32 to index
          %swap3A_156 = arith.constant 112 : index
          %swap3A_157 = tpu.vector_load %arg7[%swap3A_155, %swap3A_156] {strides = array<i32>} : memref<16x128xf32, #tpu.memory_space<vmem>>, vector<16xf32>,
          tpu.vector_store %arg7[%swap3A_155, %swap3A_156], %gather3A_154 {strides = array<i32>} : memref<16x128xf32, #tpu.memory_space<vmem>>, vector<16xf32>,
        }
        %scan3A_71 = arith.constant 16 : i32
        %add3A_72 = arith.constant 64 : i32
        %add3A_73 = arith.addi %add3A_52, %add3A_72 : i32
        %lt3A_74 = arith.constant 7812 : i32
        %lt3A_75 = arith.cmpi slt, %add3A_73, %lt3A_74 : i32
        %convert_element_type3A_76 = arith.extui %lt3A_75 : i1 to i32
        %cond3A_77 = arith.constant 0 : i32
        %cond3A_78 = arith.cmpi ne, %convert_element_type3A_76, %cond3A_77 : i32
        scf.if %cond3A_78 {
          %add3A_84 = arith.constant 64 : i32
          %add3A_85 = arith.addi %add3A_52, %add3A_84 : i32
          %mul3A_86 = arith.constant 128 : i32
          %mul3A_87 = arith.muli %add3A_85, %mul3A_86 : i32
          %dma_start3A_88 = arith.constant 0 : i32
          %dma_start3A_89 = tpu.memref_slice %arg2[%dma_start3A_88, %mul3A_87] : memref<16x1000000xf32, #tpu.memory_space<hbm>> -> memref<16x128xf32, #tpu.memory_space<hbm>>
          %dma_start3A_90 = arith.constant 0 : i32
          %dma_start3A_91 = tpu.memref_slice %arg2[%dma_start3A_90, %mul3A_87] : memref<16x1000000xf32, #tpu.memory_space<hbm>> -> memref<16x128xf32, #tpu.memory_space<hbm>>
          tpu.enqueue_dma source(%dma_start3A_91 : memref<16x128xf32, #tpu.memory_space<hbm>>) target(%arg5 : memref<16x128xf32, #tpu.memory_space<vmem>>) target_semaphore(%arg9 : memref<!tpu.dma_semaphore, #tpu.memory_space<semaphore_mem>>)
        } else {
        }
        %mul3A_79 = arith.constant 16 : i32
        %mul3A_80 = arith.muli %add3A_52, %mul3A_79 : i32
        %dma_start3A = arith.constant 0 : i32
        %dma_start3A_81 = tpu.memref_slice %arg3[%mul3A_80, %dma_start3A] : memref<125000x128xf32, #tpu.memory_space<hbm>> -> memref<16x128xf32, #tpu.memory_space<hbm>>
        %dma_start3A_82 = arith.constant 0 : i32
        %dma_start3A_83 = tpu.memref_slice %arg3[%mul3A_80, %dma_start3A_82] : memref<125000x128xf32, #tpu.memory_space<hbm>> -> memref<16x128xf32, #tpu.memory_space<hbm>>
        tpu.enqueue_dma source(%arg7 : memref<16x128xf32, #tpu.memory_space<vmem>>) target(%dma_start3A_83 : memref<16x128xf32, #tpu.memory_space<hbm>>) target_semaphore(%arg11 : memref<!tpu.dma_semaphore, #tpu.memory_space<semaphore_mem>>)
      } else {
      }
    }
    %while3A_26 = arith.constant 1 : i32
    scf.for %while3A_41 = %while3A_24 to %while3A_20 step %while3A_26  : i32 {
      %mul3A_42 = arith.muli %while3A_41, %while3A : i32
      %add3A_43 = arith.addi %add3A, %mul3A_42 : i32
      %add3A_44 = arith.constant 0 : i32
      %add3A_45 = arith.addi %add3A_43, %add3A_44 : i32
      %lt3A_46 = arith.constant 7812 : i32
      %lt3A_47 = arith.cmpi slt, %add3A_45, %lt3A_46 : i32
      %convert_element_type3A_48 = arith.extui %lt3A_47 : i1 to i32
      %cond3A_49 = arith.constant 0 : i32
      %cond3A_50 = arith.cmpi ne, %convert_element_type3A_48, %cond3A_49 : i32
      scf.if %cond3A_50 {
        %dma_wait3A = arith.constant 0 : i32
        %dma_wait3A_58 = arith.constant 0 : i32
        %dma_wait3A_59 = tpu.memref_slice %arg2[%dma_wait3A, %dma_wait3A_58] : memref<16x1000000xf32, #tpu.memory_space<hbm>> -> memref<16x128xf32, #tpu.memory_space<hbm>>
        %dma_wait3A_60 = arith.constant 0 : i32
        %dma_wait3A_61 = arith.constant 0 : i32
        %dma_wait3A_62 = tpu.memref_slice %arg2[%dma_wait3A_60, %dma_wait3A_61] : memref<16x1000000xf32, #tpu.memory_space<hbm>> -> memref<16x128xf32, #tpu.memory_space<hbm>>
        tpu.wait_dma2 semaphore(%arg8 : memref<!tpu.dma_semaphore, #tpu.memory_space<semaphore_mem>>) src(%dma_wait3A_62 : memref<16x128xf32, #tpu.memory_space<hbm>>) dst(%arg4 : memref<16x128xf32, #tpu.memory_space<vmem>>)
        %add3A_63 = arith.constant 64 : i32
        %add3A_64 = arith.addi %add3A, %add3A_63 : i32
        %ge3A = arith.cmpi sge, %add3A_45, %add3A_64 : i32
        %convert_element_type3A_65 = arith.extui %ge3A : i1 to i32
        %cond3A_66 = arith.constant 0 : i32
        %cond3A_67 = arith.cmpi ne, %convert_element_type3A_65, %cond3A_66 : i32
        scf.if %cond3A_67 {
          %dma_wait3A_84 = arith.constant 0 : i32
          %dma_wait3A_85 = arith.constant 0 : i32
          %dma_wait3A_86 = tpu.memref_slice %arg3[%dma_wait3A_84, %dma_wait3A_85] : memref<125000x128xf32, #tpu.memory_space<hbm>> -> memref<16x128xf32, #tpu.memory_space<hbm>>
          %dma_wait3A_87 = arith.constant 0 : i32
          %dma_wait3A_88 = arith.constant 0 : i32
          %dma_wait3A_89 = tpu.memref_slice %arg3[%dma_wait3A_87, %dma_wait3A_88] : memref<125000x128xf32, #tpu.memory_space<hbm>> -> memref<16x128xf32, #tpu.memory_space<hbm>>
          tpu.wait_dma2 semaphore(%arg10 : memref<!tpu.dma_semaphore, #tpu.memory_space<semaphore_mem>>) src(%arg6 : memref<16x128xf32, #tpu.memory_space<vmem>>) dst(%dma_wait3A_89 : memref<16x128xf32, #tpu.memory_space<hbm>>)
        } else {
        }
        %scan3A = arith.constant 0 : i32
        %scan3A_68 = arith.constant 16 : i32
        %scan3A_69 = arith.addi %scan3A, %scan3A_68 : i32
        %scan3A_70 = arith.constant 1 : i32
        scf.for %scan3A_84 = %scan3A to %scan3A_69 step %scan3A_70  : i32 {
          %mul3A_85 = arith.constant 1 : i32
          %mul3A_86 = arith.muli %scan3A_84, %mul3A_85 : i32
          %add3A_87 = arith.constant 0 : i32
          %add3A_88 = arith.addi %add3A_87, %mul3A_86 : i32
          %mul3A_89 = arith.constant 8 : i32
          %mul3A_90 = arith.muli %mul3A_89, %add3A_88 : i32
          %add3A_91 = arith.constant 0 : i32
          %add3A_92 = arith.addi %mul3A_90, %add3A_91 : i32
          %broadcast_in_dim3A = vector.broadcast %add3A_92 : i32 to vector<16xi32>
          %gather3A = tpu.vector_load_idx %arg4[%iota3A, %broadcast_in_dim3A] : memref<16x128xf32, #tpu.memory_space<vmem>>[vector<16xi32>, vector<16xi32>], vector<16xf32>,
          %swap3A = arith.index_cast %add3A_88 : i32 to index
          %swap3A_93 = arith.constant 0 : index
          %swap3A_94 = tpu.vector_load %arg6[%swap3A, %swap3A_93] {strides = array<i32>} : memref<16x128xf32, #tpu.memory_space<vmem>>, vector<16xf32>,
          tpu.vector_store %arg6[%swap3A, %swap3A_93], %gather3A {strides = array<i32>} : memref<16x128xf32, #tpu.memory_space<vmem>>, vector<16xf32>,
          %mul3A_95 = arith.constant 8 : i32
          %mul3A_96 = arith.muli %mul3A_95, %add3A_88 : i32
          %add3A_97 = arith.constant 1 : i32
          %add3A_98 = arith.addi %mul3A_96, %add3A_97 : i32
          %broadcast_in_dim3A_99 = vector.broadcast %add3A_98 : i32 to vector<16xi32>
          %gather3A_100 = tpu.vector_load_idx %arg4[%iota3A, %broadcast_in_dim3A_99] : memref<16x128xf32, #tpu.memory_space<vmem>>[vector<16xi32>, vector<16xi32>], vector<16xf32>,
          %swap3A_101 = arith.index_cast %add3A_88 : i32 to index
          %swap3A_102 = arith.constant 16 : index
          %swap3A_103 = tpu.vector_load %arg6[%swap3A_101, %swap3A_102] {strides = array<i32>} : memref<16x128xf32, #tpu.memory_space<vmem>>, vector<16xf32>,
          tpu.vector_store %arg6[%swap3A_101, %swap3A_102], %gather3A_100 {strides = array<i32>} : memref<16x128xf32, #tpu.memory_space<vmem>>, vector<16xf32>,
          %mul3A_104 = arith.constant 8 : i32
          %mul3A_105 = arith.muli %mul3A_104, %add3A_88 : i32
          %add3A_106 = arith.constant 2 : i32
          %add3A_107 = arith.addi %mul3A_105, %add3A_106 : i32
          %broadcast_in_dim3A_108 = vector.broadcast %add3A_107 : i32 to vector<16xi32>
          %gather3A_109 = tpu.vector_load_idx %arg4[%iota3A, %broadcast_in_dim3A_108] : memref<16x128xf32, #tpu.memory_space<vmem>>[vector<16xi32>, vector<16xi32>], vector<16xf32>,
          %swap3A_110 = arith.index_cast %add3A_88 : i32 to index
          %swap3A_111 = arith.constant 32 : index
          %swap3A_112 = tpu.vector_load %arg6[%swap3A_110, %swap3A_111] {strides = array<i32>} : memref<16x128xf32, #tpu.memory_space<vmem>>, vector<16xf32>,
          tpu.vector_store %arg6[%swap3A_110, %swap3A_111], %gather3A_109 {strides = array<i32>} : memref<16x128xf32, #tpu.memory_space<vmem>>, vector<16xf32>,
          %mul3A_113 = arith.constant 8 : i32
          %mul3A_114 = arith.muli %mul3A_113, %add3A_88 : i32
          %add3A_115 = arith.constant 3 : i32
          %add3A_116 = arith.addi %mul3A_114, %add3A_115 : i32
          %broadcast_in_dim3A_117 = vector.broadcast %add3A_116 : i32 to vector<16xi32>
          %gather3A_118 = tpu.vector_load_idx %arg4[%iota3A, %broadcast_in_dim3A_117] : memref<16x128xf32, #tpu.memory_space<vmem>>[vector<16xi32>, vector<16xi32>], vector<16xf32>,
          %swap3A_119 = arith.index_cast %add3A_88 : i32 to index
          %swap3A_120 = arith.constant 48 : index
          %swap3A_121 = tpu.vector_load %arg6[%swap3A_119, %swap3A_120] {strides = array<i32>} : memref<16x128xf32, #tpu.memory_space<vmem>>, vector<16xf32>,
          tpu.vector_store %arg6[%swap3A_119, %swap3A_120], %gather3A_118 {strides = array<i32>} : memref<16x128xf32, #tpu.memory_space<vmem>>, vector<16xf32>,
          %mul3A_122 = arith.constant 8 : i32
          %mul3A_123 = arith.muli %mul3A_122, %add3A_88 : i32
          %add3A_124 = arith.constant 4 : i32
          %add3A_125 = arith.addi %mul3A_123, %add3A_124 : i32
          %broadcast_in_dim3A_126 = vector.broadcast %add3A_125 : i32 to vector<16xi32>
          %gather3A_127 = tpu.vector_load_idx %arg4[%iota3A, %broadcast_in_dim3A_126] : memref<16x128xf32, #tpu.memory_space<vmem>>[vector<16xi32>, vector<16xi32>], vector<16xf32>,
          %swap3A_128 = arith.index_cast %add3A_88 : i32 to index
          %swap3A_129 = arith.constant 64 : index
          %swap3A_130 = tpu.vector_load %arg6[%swap3A_128, %swap3A_129] {strides = array<i32>} : memref<16x128xf32, #tpu.memory_space<vmem>>, vector<16xf32>,
          tpu.vector_store %arg6[%swap3A_128, %swap3A_129], %gather3A_127 {strides = array<i32>} : memref<16x128xf32, #tpu.memory_space<vmem>>, vector<16xf32>,
          %mul3A_131 = arith.constant 8 : i32
          %mul3A_132 = arith.muli %mul3A_131, %add3A_88 : i32
          %add3A_133 = arith.constant 5 : i32
          %add3A_134 = arith.addi %mul3A_132, %add3A_133 : i32
          %broadcast_in_dim3A_135 = vector.broadcast %add3A_134 : i32 to vector<16xi32>
          %gather3A_136 = tpu.vector_load_idx %arg4[%iota3A, %broadcast_in_dim3A_135] : memref<16x128xf32, #tpu.memory_space<vmem>>[vector<16xi32>, vector<16xi32>], vector<16xf32>,
          %swap3A_137 = arith.index_cast %add3A_88 : i32 to index
          %swap3A_138 = arith.constant 80 : index
          %swap3A_139 = tpu.vector_load %arg6[%swap3A_137, %swap3A_138] {strides = array<i32>} : memref<16x128xf32, #tpu.memory_space<vmem>>, vector<16xf32>,
          tpu.vector_store %arg6[%swap3A_137, %swap3A_138], %gather3A_136 {strides = array<i32>} : memref<16x128xf32, #tpu.memory_space<vmem>>, vector<16xf32>,
          %mul3A_140 = arith.constant 8 : i32
          %mul3A_141 = arith.muli %mul3A_140, %add3A_88 : i32
          %add3A_142 = arith.constant 6 : i32
          %add3A_143 = arith.addi %mul3A_141, %add3A_142 : i32
          %broadcast_in_dim3A_144 = vector.broadcast %add3A_143 : i32 to vector<16xi32>
          %gather3A_145 = tpu.vector_load_idx %arg4[%iota3A, %broadcast_in_dim3A_144] : memref<16x128xf32, #tpu.memory_space<vmem>>[vector<16xi32>, vector<16xi32>], vector<16xf32>,
          %swap3A_146 = arith.index_cast %add3A_88 : i32 to index
          %swap3A_147 = arith.constant 96 : index
          %swap3A_148 = tpu.vector_load %arg6[%swap3A_146, %swap3A_147] {strides = array<i32>} : memref<16x128xf32, #tpu.memory_space<vmem>>, vector<16xf32>,
          tpu.vector_store %arg6[%swap3A_146, %swap3A_147], %gather3A_145 {strides = array<i32>} : memref<16x128xf32, #tpu.memory_space<vmem>>, vector<16xf32>,
          %mul3A_149 = arith.constant 8 : i32
          %mul3A_150 = arith.muli %mul3A_149, %add3A_88 : i32
          %add3A_151 = arith.constant 7 : i32
          %add3A_152 = arith.addi %mul3A_150, %add3A_151 : i32
          %broadcast_in_dim3A_153 = vector.broadcast %add3A_152 : i32 to vector<16xi32>
          %gather3A_154 = tpu.vector_load_idx %arg4[%iota3A, %broadcast_in_dim3A_153] : memref<16x128xf32, #tpu.memory_space<vmem>>[vector<16xi32>, vector<16xi32>], vector<16xf32>,
          %swap3A_155 = arith.index_cast %add3A_88 : i32 to index
          %swap3A_156 = arith.constant 112 : index
          %swap3A_157 = tpu.vector_load %arg6[%swap3A_155, %swap3A_156] {strides = array<i32>} : memref<16x128xf32, #tpu.memory_space<vmem>>, vector<16xf32>,
          tpu.vector_store %arg6[%swap3A_155, %swap3A_156], %gather3A_154 {strides = array<i32>} : memref<16x128xf32, #tpu.memory_space<vmem>>, vector<16xf32>,
        }
        %scan3A_71 = arith.constant 16 : i32
        %add3A_72 = arith.constant 64 : i32
        %add3A_73 = arith.addi %add3A_45, %add3A_72 : i32
        %lt3A_74 = arith.constant 7812 : i32
        %lt3A_75 = arith.cmpi slt, %add3A_73, %lt3A_74 : i32
        %convert_element_type3A_76 = arith.extui %lt3A_75 : i1 to i32
        %cond3A_77 = arith.constant 0 : i32
        %cond3A_78 = arith.cmpi ne, %convert_element_type3A_76, %cond3A_77 : i32
        scf.if %cond3A_78 {
          %add3A_84 = arith.constant 64 : i32
          %add3A_85 = arith.addi %add3A_45, %add3A_84 : i32
          %mul3A_86 = arith.constant 128 : i32
          %mul3A_87 = arith.muli %add3A_85, %mul3A_86 : i32
          %dma_start3A_88 = arith.constant 0 : i32
          %dma_start3A_89 = tpu.memref_slice %arg2[%dma_start3A_88, %mul3A_87] : memref<16x1000000xf32, #tpu.memory_space<hbm>> -> memref<16x128xf32, #tpu.memory_space<hbm>>
          %dma_start3A_90 = arith.constant 0 : i32
          %dma_start3A_91 = tpu.memref_slice %arg2[%dma_start3A_90, %mul3A_87] : memref<16x1000000xf32, #tpu.memory_space<hbm>> -> memref<16x128xf32, #tpu.memory_space<hbm>>
          tpu.enqueue_dma source(%dma_start3A_91 : memref<16x128xf32, #tpu.memory_space<hbm>>) target(%arg4 : memref<16x128xf32, #tpu.memory_space<vmem>>) target_semaphore(%arg8 : memref<!tpu.dma_semaphore, #tpu.memory_space<semaphore_mem>>)
        } else {
        }
        %mul3A_79 = arith.constant 16 : i32
        %mul3A_80 = arith.muli %add3A_45, %mul3A_79 : i32
        %dma_start3A = arith.constant 0 : i32
        %dma_start3A_81 = tpu.memref_slice %arg3[%mul3A_80, %dma_start3A] : memref<125000x128xf32, #tpu.memory_space<hbm>> -> memref<16x128xf32, #tpu.memory_space<hbm>>
        %dma_start3A_82 = arith.constant 0 : i32
        %dma_start3A_83 = tpu.memref_slice %arg3[%mul3A_80, %dma_start3A_82] : memref<125000x128xf32, #tpu.memory_space<hbm>> -> memref<16x128xf32, #tpu.memory_space<hbm>>
        tpu.enqueue_dma source(%arg6 : memref<16x128xf32, #tpu.memory_space<vmem>>) target(%dma_start3A_83 : memref<16x128xf32, #tpu.memory_space<hbm>>) target_semaphore(%arg10 : memref<!tpu.dma_semaphore, #tpu.memory_space<semaphore_mem>>)
      } else {
      }
      %add3A_51 = arith.constant 32 : i32
      %add3A_52 = arith.addi %add3A_43, %add3A_51 : i32
      %lt3A_53 = arith.constant 7812 : i32
      %lt3A_54 = arith.cmpi slt, %add3A_52, %lt3A_53 : i32
      %convert_element_type3A_55 = arith.extui %lt3A_54 : i1 to i32
      %cond3A_56 = arith.constant 0 : i32
      %cond3A_57 = arith.cmpi ne, %convert_element_type3A_55, %cond3A_56 : i32
      scf.if %cond3A_57 {
        %dma_wait3A = arith.constant 0 : i32
        %dma_wait3A_58 = arith.constant 0 : i32
        %dma_wait3A_59 = tpu.memref_slice %arg2[%dma_wait3A, %dma_wait3A_58] : memref<16x1000000xf32, #tpu.memory_space<hbm>> -> memref<16x128xf32, #tpu.memory_space<hbm>>
        %dma_wait3A_60 = arith.constant 0 : i32
        %dma_wait3A_61 = arith.constant 0 : i32
        %dma_wait3A_62 = tpu.memref_slice %arg2[%dma_wait3A_60, %dma_wait3A_61] : memref<16x1000000xf32, #tpu.memory_space<hbm>> -> memref<16x128xf32, #tpu.memory_space<hbm>>
        tpu.wait_dma2 semaphore(%arg9 : memref<!tpu.dma_semaphore, #tpu.memory_space<semaphore_mem>>) src(%dma_wait3A_62 : memref<16x128xf32, #tpu.memory_space<hbm>>) dst(%arg5 : memref<16x128xf32, #tpu.memory_space<vmem>>)
        %add3A_63 = arith.constant 64 : i32
        %add3A_64 = arith.addi %add3A, %add3A_63 : i32
        %ge3A = arith.cmpi sge, %add3A_52, %add3A_64 : i32
        %convert_element_type3A_65 = arith.extui %ge3A : i1 to i32
        %cond3A_66 = arith.constant 0 : i32
        %cond3A_67 = arith.cmpi ne, %convert_element_type3A_65, %cond3A_66 : i32
        scf.if %cond3A_67 {
          %dma_wait3A_84 = arith.constant 0 : i32
          %dma_wait3A_85 = arith.constant 0 : i32
          %dma_wait3A_86 = tpu.memref_slice %arg3[%dma_wait3A_84, %dma_wait3A_85] : memref<125000x128xf32, #tpu.memory_space<hbm>> -> memref<16x128xf32, #tpu.memory_space<hbm>>
          %dma_wait3A_87 = arith.constant 0 : i32
          %dma_wait3A_88 = arith.constant 0 : i32
          %dma_wait3A_89 = tpu.memref_slice %arg3[%dma_wait3A_87, %dma_wait3A_88] : memref<125000x128xf32, #tpu.memory_space<hbm>> -> memref<16x128xf32, #tpu.memory_space<hbm>>
          tpu.wait_dma2 semaphore(%arg11 : memref<!tpu.dma_semaphore, #tpu.memory_space<semaphore_mem>>) src(%arg7 : memref<16x128xf32, #tpu.memory_space<vmem>>) dst(%dma_wait3A_89 : memref<16x128xf32, #tpu.memory_space<hbm>>)
        } else {
        }
        %scan3A = arith.constant 0 : i32
        %scan3A_68 = arith.constant 16 : i32
        %scan3A_69 = arith.addi %scan3A, %scan3A_68 : i32
        %scan3A_70 = arith.constant 1 : i32
        scf.for %scan3A_84 = %scan3A to %scan3A_69 step %scan3A_70  : i32 {
          %mul3A_85 = arith.constant 1 : i32
          %mul3A_86 = arith.muli %scan3A_84, %mul3A_85 : i32
          %add3A_87 = arith.constant 0 : i32
          %add3A_88 = arith.addi %add3A_87, %mul3A_86 : i32
          %mul3A_89 = arith.constant 8 : i32
          %mul3A_90 = arith.muli %mul3A_89, %add3A_88 : i32
          %add3A_91 = arith.constant 0 : i32
          %add3A_92 = arith.addi %mul3A_90, %add3A_91 : i32
          %broadcast_in_dim3A = vector.broadcast %add3A_92 : i32 to vector<16xi32>
          %gather3A = tpu.vector_load_idx %arg5[%iota3A, %broadcast_in_dim3A] : memref<16x128xf32, #tpu.memory_space<vmem>>[vector<16xi32>, vector<16xi32>], vector<16xf32>,
          %swap3A = arith.index_cast %add3A_88 : i32 to index
          %swap3A_93 = arith.constant 0 : index
          %swap3A_94 = tpu.vector_load %arg7[%swap3A, %swap3A_93] {strides = array<i32>} : memref<16x128xf32, #tpu.memory_space<vmem>>, vector<16xf32>,
          tpu.vector_store %arg7[%swap3A, %swap3A_93], %gather3A {strides = array<i32>} : memref<16x128xf32, #tpu.memory_space<vmem>>, vector<16xf32>,
          %mul3A_95 = arith.constant 8 : i32
          %mul3A_96 = arith.muli %mul3A_95, %add3A_88 : i32
          %add3A_97 = arith.constant 1 : i32
          %add3A_98 = arith.addi %mul3A_96, %add3A_97 : i32
          %broadcast_in_dim3A_99 = vector.broadcast %add3A_98 : i32 to vector<16xi32>
          %gather3A_100 = tpu.vector_load_idx %arg5[%iota3A, %broadcast_in_dim3A_99] : memref<16x128xf32, #tpu.memory_space<vmem>>[vector<16xi32>, vector<16xi32>], vector<16xf32>,
          %swap3A_101 = arith.index_cast %add3A_88 : i32 to index
          %swap3A_102 = arith.constant 16 : index
          %swap3A_103 = tpu.vector_load %arg7[%swap3A_101, %swap3A_102] {strides = array<i32>} : memref<16x128xf32, #tpu.memory_space<vmem>>, vector<16xf32>,
          tpu.vector_store %arg7[%swap3A_101, %swap3A_102], %gather3A_100 {strides = array<i32>} : memref<16x128xf32, #tpu.memory_space<vmem>>, vector<16xf32>,
          %mul3A_104 = arith.constant 8 : i32
          %mul3A_105 = arith.muli %mul3A_104, %add3A_88 : i32
          %add3A_106 = arith.constant 2 : i32
          %add3A_107 = arith.addi %mul3A_105, %add3A_106 : i32
          %broadcast_in_dim3A_108 = vector.broadcast %add3A_107 : i32 to vector<16xi32>
          %gather3A_109 = tpu.vector_load_idx %arg5[%iota3A, %broadcast_in_dim3A_108] : memref<16x128xf32, #tpu.memory_space<vmem>>[vector<16xi32>, vector<16xi32>], vector<16xf32>,
          %swap3A_110 = arith.index_cast %add3A_88 : i32 to index
          %swap3A_111 = arith.constant 32 : index
          %swap3A_112 = tpu.vector_load %arg7[%swap3A_110, %swap3A_111] {strides = array<i32>} : memref<16x128xf32, #tpu.memory_space<vmem>>, vector<16xf32>,
          tpu.vector_store %arg7[%swap3A_110, %swap3A_111], %gather3A_109 {strides = array<i32>} : memref<16x128xf32, #tpu.memory_space<vmem>>, vector<16xf32>,
          %mul3A_113 = arith.constant 8 : i32
          %mul3A_114 = arith.muli %mul3A_113, %add3A_88 : i32
          %add3A_115 = arith.constant 3 : i32
          %add3A_116 = arith.addi %mul3A_114, %add3A_115 : i32
          %broadcast_in_dim3A_117 = vector.broadcast %add3A_116 : i32 to vector<16xi32>
          %gather3A_118 = tpu.vector_load_idx %arg5[%iota3A, %broadcast_in_dim3A_117] : memref<16x128xf32, #tpu.memory_space<vmem>>[vector<16xi32>, vector<16xi32>], vector<16xf32>,
          %swap3A_119 = arith.index_cast %add3A_88 : i32 to index
          %swap3A_120 = arith.constant 48 : index
          %swap3A_121 = tpu.vector_load %arg7[%swap3A_119, %swap3A_120] {strides = array<i32>} : memref<16x128xf32, #tpu.memory_space<vmem>>, vector<16xf32>,
          tpu.vector_store %arg7[%swap3A_119, %swap3A_120], %gather3A_118 {strides = array<i32>} : memref<16x128xf32, #tpu.memory_space<vmem>>, vector<16xf32>,
          %mul3A_122 = arith.constant 8 : i32
          %mul3A_123 = arith.muli %mul3A_122, %add3A_88 : i32
          %add3A_124 = arith.constant 4 : i32
          %add3A_125 = arith.addi %mul3A_123, %add3A_124 : i32
          %broadcast_in_dim3A_126 = vector.broadcast %add3A_125 : i32 to vector<16xi32>
          %gather3A_127 = tpu.vector_load_idx %arg5[%iota3A, %broadcast_in_dim3A_126] : memref<16x128xf32, #tpu.memory_space<vmem>>[vector<16xi32>, vector<16xi32>], vector<16xf32>,
          %swap3A_128 = arith.index_cast %add3A_88 : i32 to index
          %swap3A_129 = arith.constant 64 : index
          %swap3A_130 = tpu.vector_load %arg7[%swap3A_128, %swap3A_129] {strides = array<i32>} : memref<16x128xf32, #tpu.memory_space<vmem>>, vector<16xf32>,
          tpu.vector_store %arg7[%swap3A_128, %swap3A_129], %gather3A_127 {strides = array<i32>} : memref<16x128xf32, #tpu.memory_space<vmem>>, vector<16xf32>,
          %mul3A_131 = arith.constant 8 : i32
          %mul3A_132 = arith.muli %mul3A_131, %add3A_88 : i32
          %add3A_133 = arith.constant 5 : i32
          %add3A_134 = arith.addi %mul3A_132, %add3A_133 : i32
          %broadcast_in_dim3A_135 = vector.broadcast %add3A_134 : i32 to vector<16xi32>
          %gather3A_136 = tpu.vector_load_idx %arg5[%iota3A, %broadcast_in_dim3A_135] : memref<16x128xf32, #tpu.memory_space<vmem>>[vector<16xi32>, vector<16xi32>], vector<16xf32>,
          %swap3A_137 = arith.index_cast %add3A_88 : i32 to index
          %swap3A_138 = arith.constant 80 : index
          %swap3A_139 = tpu.vector_load %arg7[%swap3A_137, %swap3A_138] {strides = array<i32>} : memref<16x128xf32, #tpu.memory_space<vmem>>, vector<16xf32>,
          tpu.vector_store %arg7[%swap3A_137, %swap3A_138], %gather3A_136 {strides = array<i32>} : memref<16x128xf32, #tpu.memory_space<vmem>>, vector<16xf32>,
          %mul3A_140 = arith.constant 8 : i32
          %mul3A_141 = arith.muli %mul3A_140, %add3A_88 : i32
          %add3A_142 = arith.constant 6 : i32
          %add3A_143 = arith.addi %mul3A_141, %add3A_142 : i32
          %broadcast_in_dim3A_144 = vector.broadcast %add3A_143 : i32 to vector<16xi32>
          %gather3A_145 = tpu.vector_load_idx %arg5[%iota3A, %broadcast_in_dim3A_144] : memref<16x128xf32, #tpu.memory_space<vmem>>[vector<16xi32>, vector<16xi32>], vector<16xf32>,
          %swap3A_146 = arith.index_cast %add3A_88 : i32 to index
          %swap3A_147 = arith.constant 96 : index
          %swap3A_148 = tpu.vector_load %arg7[%swap3A_146, %swap3A_147] {strides = array<i32>} : memref<16x128xf32, #tpu.memory_space<vmem>>, vector<16xf32>,
          tpu.vector_store %arg7[%swap3A_146, %swap3A_147], %gather3A_145 {strides = array<i32>} : memref<16x128xf32, #tpu.memory_space<vmem>>, vector<16xf32>,
          %mul3A_149 = arith.constant 8 : i32
          %mul3A_150 = arith.muli %mul3A_149, %add3A_88 : i32
          %add3A_151 = arith.constant 7 : i32
          %add3A_152 = arith.addi %mul3A_150, %add3A_151 : i32
          %broadcast_in_dim3A_153 = vector.broadcast %add3A_152 : i32 to vector<16xi32>
          %gather3A_154 = tpu.vector_load_idx %arg5[%iota3A, %broadcast_in_dim3A_153] : memref<16x128xf32, #tpu.memory_space<vmem>>[vector<16xi32>, vector<16xi32>], vector<16xf32>,
          %swap3A_155 = arith.index_cast %add3A_88 : i32 to index
          %swap3A_156 = arith.constant 112 : index
          %swap3A_157 = tpu.vector_load %arg7[%swap3A_155, %swap3A_156] {strides = array<i32>} : memref<16x128xf32, #tpu.memory_space<vmem>>, vector<16xf32>,
          tpu.vector_store %arg7[%swap3A_155, %swap3A_156], %gather3A_154 {strides = array<i32>} : memref<16x128xf32, #tpu.memory_space<vmem>>, vector<16xf32>,
        }
        %scan3A_71 = arith.constant 16 : i32
        %add3A_72 = arith.constant 64 : i32
        %add3A_73 = arith.addi %add3A_52, %add3A_72 : i32
        %lt3A_74 = arith.constant 7812 : i32
        %lt3A_75 = arith.cmpi slt, %add3A_73, %lt3A_74 : i32
        %convert_element_type3A_76 = arith.extui %lt3A_75 : i1 to i32
        %cond3A_77 = arith.constant 0 : i32
        %cond3A_78 = arith.cmpi ne, %convert_element_type3A_76, %cond3A_77 : i32
        scf.if %cond3A_78 {
          %add3A_84 = arith.constant 64 : i32
          %add3A_85 = arith.addi %add3A_52, %add3A_84 : i32
          %mul3A_86 = arith.constant 128 : i32
          %mul3A_87 = arith.muli %add3A_85, %mul3A_86 : i32
          %dma_start3A_88 = arith.constant 0 : i32
          %dma_start3A_89 = tpu.memref_slice %arg2[%dma_start3A_88, %mul3A_87] : memref<16x1000000xf32, #tpu.memory_space<hbm>> -> memref<16x128xf32, #tpu.memory_space<hbm>>
          %dma_start3A_90 = arith.constant 0 : i32
          %dma_start3A_91 = tpu.memref_slice %arg2[%dma_start3A_90, %mul3A_87] : memref<16x1000000xf32, #tpu.memory_space<hbm>> -> memref<16x128xf32, #tpu.memory_space<hbm>>
          tpu.enqueue_dma source(%dma_start3A_91 : memref<16x128xf32, #tpu.memory_space<hbm>>) target(%arg5 : memref<16x128xf32, #tpu.memory_space<vmem>>) target_semaphore(%arg9 : memref<!tpu.dma_semaphore, #tpu.memory_space<semaphore_mem>>)
        } else {
        }
        %mul3A_79 = arith.constant 16 : i32
        %mul3A_80 = arith.muli %add3A_52, %mul3A_79 : i32
        %dma_start3A = arith.constant 0 : i32
        %dma_start3A_81 = tpu.memref_slice %arg3[%mul3A_80, %dma_start3A] : memref<125000x128xf32, #tpu.memory_space<hbm>> -> memref<16x128xf32, #tpu.memory_space<hbm>>
        %dma_start3A_82 = arith.constant 0 : i32
        %dma_start3A_83 = tpu.memref_slice %arg3[%mul3A_80, %dma_start3A_82] : memref<125000x128xf32, #tpu.memory_space<hbm>> -> memref<16x128xf32, #tpu.memory_space<hbm>>
        tpu.enqueue_dma source(%arg7 : memref<16x128xf32, #tpu.memory_space<vmem>>) target(%dma_start3A_83 : memref<16x128xf32, #tpu.memory_space<hbm>>) target_semaphore(%arg11 : memref<!tpu.dma_semaphore, #tpu.memory_space<semaphore_mem>>)
      } else {
      }
    }
    %add3A_27 = arith.constant 0 : i32
    %add3A_28 = arith.addi %add3A, %add3A_27 : i32
    %lt3A_29 = arith.constant 7812 : i32
    %lt3A_30 = arith.cmpi slt, %add3A_28, %lt3A_29 : i32
    %convert_element_type3A_31 = arith.extui %lt3A_30 : i1 to i32
    %cond3A_32 = arith.constant 0 : i32
    %cond3A_33 = arith.cmpi ne, %convert_element_type3A_31, %cond3A_32 : i32
    scf.if %cond3A_33 {
      %dma_wait3A = arith.constant 0 : i32
      %dma_wait3A_41 = arith.constant 0 : i32
      %dma_wait3A_42 = tpu.memref_slice %arg3[%dma_wait3A, %dma_wait3A_41] : memref<125000x128xf32, #tpu.memory_space<hbm>> -> memref<16x128xf32, #tpu.memory_space<hbm>>
      %dma_wait3A_43 = arith.constant 0 : i32
      %dma_wait3A_44 = arith.constant 0 : i32
      %dma_wait3A_45 = tpu.memref_slice %arg3[%dma_wait3A_43, %dma_wait3A_44] : memref<125000x128xf32, #tpu.memory_space<hbm>> -> memref<16x128xf32, #tpu.memory_space<hbm>>
      tpu.wait_dma2 semaphore(%arg10 : memref<!tpu.dma_semaphore, #tpu.memory_space<semaphore_mem>>) src(%arg6 : memref<16x128xf32, #tpu.memory_space<vmem>>) dst(%dma_wait3A_45 : memref<16x128xf32, #tpu.memory_space<hbm>>)
    } else {
    }
    %add3A_34 = arith.constant 32 : i32
    %add3A_35 = arith.addi %add3A, %add3A_34 : i32
    %lt3A_36 = arith.constant 7812 : i32
    %lt3A_37 = arith.cmpi slt, %add3A_35, %lt3A_36 : i32
    %convert_element_type3A_38 = arith.extui %lt3A_37 : i1 to i32
    %cond3A_39 = arith.constant 0 : i32
    %cond3A_40 = arith.cmpi ne, %convert_element_type3A_38, %cond3A_39 : i32
    scf.if %cond3A_40 {
      %dma_wait3A = arith.constant 0 : i32
      %dma_wait3A_41 = arith.constant 0 : i32
      %dma_wait3A_42 = tpu.memref_slice %arg3[%dma_wait3A, %dma_wait3A_41] : memref<125000x128xf32, #tpu.memory_space<hbm>> -> memref<16x128xf32, #tpu.memory_space<hbm>>
      %dma_wait3A_43 = arith.constant 0 : i32
      %dma_wait3A_44 = arith.constant 0 : i32
      %dma_wait3A_45 = tpu.memref_slice %arg3[%dma_wait3A_43, %dma_wait3A_44] : memref<125000x128xf32, #tpu.memory_space<hbm>> -> memref<16x128xf32, #tpu.memory_space<hbm>>
      tpu.wait_dma2 semaphore(%arg11 : memref<!tpu.dma_semaphore, #tpu.memory_space<semaphore_mem>>) src(%arg7 : memref<16x128xf32, #tpu.memory_space<vmem>>) dst(%dma_wait3A_45 : memref<16x128xf32, #tpu.memory_space<hbm>>)
    } else {
    }
    return
  }
}

module attributes {stable_mosaic.version = 14 : i64} {
  func.func @mm_kernel(%arg0: i32, %arg1: memref<1664x128xf32, #tpu.memory_space<vmem>>, %arg2: memref<1664x512xf32, #tpu.memory_space<vmem>>, %arg3: memref<1x512xf32, #tpu.memory_space<vmem>>, %arg4: memref<512x128xf32, #tpu.memory_space<vmem>>) attributes {dimension_semantics = [#tpu.dimension_semantics<arbitrary>], iteration_bounds = array<i64: 100>, scalar_prefetch = 0 : i64, scratch_operands = 0 : i64, tpu.core_type = #tpu.core_type<tc>, window_params = [{transform_indices = @transform_0, window_bounds = array<i64: 1664, 128>}, {pipeline_mode = #tpu.pipeline_mode<synchronous>, transform_indices = @transform_1, window_bounds = array<i64: 1664, 512>}, {pipeline_mode = #tpu.pipeline_mode<synchronous>, transform_indices = @transform_2, window_bounds = array<i64: 1, 512>}, {transform_indices = @transform_3, window_bounds = array<i64: 512, 128>}]} {
    %get3A = arith.constant 0 : index
    %get3A_0 = arith.constant 0 : index
    %get3A_1 = vector.load %arg1[%get3A, %get3A_0] : memref<1664x128xf32, #tpu.memory_space<vmem>>, vector<1664x128xf32>
    %reshape3A = vector.shape_cast %get3A_1 : vector<1664x128xf32> to vector<128x1664xf32>
    %get3A_2 = arith.constant 0 : index
    %get3A_3 = arith.constant 0 : index
    %get3A_4 = vector.load %arg2[%get3A_2, %get3A_3] : memref<1664x512xf32, #tpu.memory_space<vmem>>, vector<1664x512xf32>
    %dot_general3A = arith.constant dense<0.000000e+00> : vector<128x512xf32>
    %dot_general3A_5 = tpu.matmul %reshape3A, %get3A_4, %dot_general3A {dimension_numbers = #tpu.dot_dimension_numbers<[1], [0], [0], [1], [0, 0, 1, 1], [], []>, transpose_lhs_hint = false} : vector<128x1664xf32>, vector<1664x512xf32>, vector<128x512xf32> -> vector<128x512xf32>
    %get3A_6 = arith.constant 0 : index
    %get3A_7 = arith.constant 0 : index
    %get3A_8 = vector.load %arg3[%get3A_6, %get3A_7] : memref<1x512xf32, #tpu.memory_space<vmem>>, vector<1x512xf32>
    %add3A = vector.broadcast %get3A_8 : vector<1x512xf32> to vector<128x512xf32>
    %add3A_9 = arith.addf %dot_general3A_5, %add3A : vector<128x512xf32>
    %reshape3A_10 = vector.shape_cast %add3A_9 : vector<128x512xf32> to vector<512x128xf32>
    %swap3A = arith.constant 0 : index
    %swap3A_11 = arith.constant 0 : index
    %swap3A_12 = vector.load %arg4[%swap3A, %swap3A_11] : memref<512x128xf32, #tpu.memory_space<vmem>>, vector<512x128xf32>
    tpu.vector_store %arg4[%swap3A, %swap3A_11], %reshape3A_10 {strides = array<i32>} : memref<512x128xf32, #tpu.memory_space<vmem>>, vector<512x128xf32>,
    return
  }
  func.func @transform_0(%arg0: i32) -> (i32, i32) {
    %c0_i32 = arith.constant 0 : i32
    %c0_i32_0 = arith.constant 0 : i32
    return %arg0, %c0_i32 : i32, i32
  }
  func.func @transform_1(%arg0: i32) -> (i32, i32) {
    %c0_i32 = arith.constant 0 : i32
    %c0_i32_0 = arith.constant 0 : i32
    %c0_i32_1 = arith.constant 0 : i32
    return %c0_i32, %c0_i32_0 : i32, i32
  }
  func.func @transform_2(%arg0: i32) -> (i32, i32) {
    %c0_i32 = arith.constant 0 : i32
    %c0_i32_0 = arith.constant 0 : i32
    %c0_i32_1 = arith.constant 0 : i32
    return %c0_i32, %c0_i32_0 : i32, i32
  }
  func.func @transform_3(%arg0: i32) -> (i32, i32) {
    %c0_i32 = arith.constant 0 : i32
    %c0_i32_0 = arith.constant 0 : i32
    return %arg0, %c0_i32 : i32, i32
  }
}

</mosaic_0001>

<sc_bundles>
// kernel: kernel.5.cloned.1.call-start
scs
__scs_entry_jumppad:
0x0: {  	(pc) =	sbr.rel $0x88, $3  }
0x1: {  	(tag) =	ssettag $0x0;
	lr =	simm.s32 $0x1  }
0x2: {  	[smem:$0x3F9D] =	sst lr;
	_ =	strace $0xD0000000  }
0x3: {  	_ = 	snop  }
0x4: {  	_ = 	snop  }
0x5: {  	_ = 	snop  }
0x6: {  	_ = 	snop  }
0x7: {  	_ = 	snop  }
__scs_overlays_trampoline_lowered:
0x8: {  	[smem:$0x3FAC] =	sst s0  }
0x9: {  	[smem:$0x3FAD] =	sst s1  }
0xa: {  	[smem:$0x3FAE] =	sst s2  }
0xb: {  	[smem:$0x3FAF] =	sst s3  }
0xc: {  	[smem:$0x3FB0] =	sst s4  }
0xd: {  	[smem:$0x3FB1] =	sst s5  }
0xe: {  	[smem:$0x3FB2] =	sst s6  }
0xf: {  	[smem:$0x3FB3] =	sst s7  }
0x10: {  	[smem:$0x3FB4] =	sst s8  }
0x11: {  	[smem:$0x3FB5] =	sst s9;
	s0 =	simm.s32 @!p0 $0x0  }
0x12: {  	s1 =	sld [smem:$0x3F9B];
	s0 =	simm.s32 @p0 $0x1  }
0x13: {  	[smem:$0x3FB6] =	sst s0;
	s0 =	simm.s32 @!p1 $0x0  }
0x14: {  	s2 =	sld [smem:$0x3F9A];
	s0 =	simm.s32 @p1 $0x1  }
0x15: {  	[smem:$0x3FB7] =	sst s0;
	s0 =	simm.s32 @!p2 $0x0  }
0x16: {  	s3 =	sld [smem:$0x3FDB];
	s0 =	simm.s32 @p2 $0x1  }
0x17: {  	s4 =	simm.s32 $0x1BF5;
	[smem:$0x3FB9] =	sst s0  }
0x18: {  	s0 =	sld [smem:$0x3F9C];
	_ =	swait.ge [sflag:s4], $0x0  }
0x19: {  	s7 =	sld [smem:$0x3F9D]  }
0x1a: {  	s8 =	sadd.s32 $0xFFFFE003, lr  }
0x1b: {  	s9 =	sadd.s32 $0xFFFFFEF7, lr;
	s5 =	simm.s32 $0xFFFFFFFF;
	p2 =	slt.u32 s8, $0xFFFFF086  }
0x1c: {  	p1 =	slt.u32 s9, $0xF7A;
	s5 =	simm.s32 @!p2 $0x0  }
0x1d: {  	s5 =	simm.s32 @p1 $0x1;
	p0 =	seq.s32 s7, s2  }
0x1e: {  	s7 =	smul.u32 @!p0 $0xF7A, s2;
	p2 =	seq.s32 @!p0 s5, $0x0  }
0x1f: {  	s9 =	smul.u32 $0xF7A, s1;
	s8 =	simm.s32 @!p0 $0x1BF5;
	p2 =	por !p2, p0  }
0x20: {  	[sflag:s8] =	ssyncset.s32 @!p0 $0xFFFFF086;
	s6 =	sadd.s32 @!p0 s3, s7;
	s7 =	simm.s32 @!p0 $0x108  }
0x21: {  	s3 =	sadd.s32 s3, s9;
	s6 =	sadd.s32 @!p0 $0x88, s6;
	s7 =	simm.s32 @p2 $0x1082  }
0x22: {  	[simem:s7], [sflag:s8] =	dma.local @!p0 [hbm:s6], $0xF7A  }
0x23: {  	s9 =	sor.u32 $0xD0000000, s2;
	s6 =	simm.s32 $0x108;
	_ =	swait.ge @!p0 [sflag:s8], $0x0  }
0x24: {  	s3 =	sadd.s32 $0x88, s3;
	s6 =	simm.s32 @!p1 $0x1082;
	[sflag:s4] =	ssyncset.s32 $0xFFFFF086  }
0x25: {  	[simem:s6], [sflag:s4] =	dma.local [hbm:s3], $0xF7A  }
0x26: {  	[smem:$0x3F9D] =	sst s1;
	(tag) =	ssettag s2;
	_ =	strace s9  }
0x27: {  	s1 =	sld [smem:$0x3FAD]  }
0x28: {  	s2 =	sld [smem:$0x3FAE]  }
0x29: {  	s4 =	sld [smem:$0x3FB0]  }
0x2a: {  	p0 =	seq.s32 s5, $0x0;
	s5 =	sld [smem:$0x3FB1]  }
0x2b: {  	s6 =	sld [smem:$0x3FB2]  }
0x2c: {  	s7 =	sld [smem:$0x3FB3]  }
0x2d: {  	s3 =	simm.s32 $0x108;
	s8 =	sld [smem:$0x3FB4]  }
0x2e: {  	s3 =	simm.s32 @!p0 $0x1082;
	s9 =	sld [smem:$0x3FB5]  }
0x2f: {  	lr =	sadd.s32 s0, s3;
	s0 =	sld [smem:$0x3FAC]  }
0x30: {  	s3 =	sld [smem:$0x3FAF]  }
0x31: {  	[smem:$0x3FB8] =	sst s10  }
0x32: {  	s10 =	sld [smem:$0x3FB6];
	_ =	sdelay $0x3  }
0x33: {  	p0 =	seq.s32 s10, $0x1;
	s10 =	sld [smem:$0x3FB8];
	_ =	sdelay $0x3  }
0x34: {  	[smem:$0x3FB8] =	sst s10  }
0x35: {  	s10 =	sld [smem:$0x3FB7];
	_ =	sdelay $0x3  }
0x36: {  	p1 =	seq.s32 s10, $0x1;
	s10 =	sld [smem:$0x3FB8];
	_ =	sdelay $0x3  }
0x37: {  	[smem:$0x3FB8] =	sst s10  }
0x38: {  	s10 =	sld [smem:$0x3FB9]  }
0x39: {  	_ = 	snop;
	(pc) =	sbr.ind lr, $3  }
0x3a: {  	_ = 	snop  }
0x3b: {  	_ = 	snop  }
0x3c: {  	p2 =	seq.s32 s10, $0x1;
	s10 =	sld [smem:$0x3FB8]  }
0x3d: {  	_ =	shalt  }
0x3e: {  	_ =	shalt  }
0x3f: {  	_ =	shalt  }
0x40: {  	_ =	shalt  }
0x41: {  	_ =	shalt  }
0x42: {  	_ =	shalt  }
0x43: {  	_ =	shalt  }
0x44: {  	_ =	shalt  }
0x45: {  	_ =	shalt  }
0x46: {  	_ =	shalt  }
0x47: {  	_ =	shalt  }
0x48: {  	_ =	shalt  }
0x49: {  	_ =	shalt  }
0x4a: {  	_ =	shalt  }
0x4b: {  	_ =	shalt  }
0x4c: {  	_ =	shalt  }
0x4d: {  	_ =	shalt  }
0x4e: {  	_ =	shalt  }
0x4f: {  	_ =	shalt  }
0x50: {  	_ =	shalt  }
0x51: {  	_ =	shalt  }
0x52: {  	_ =	shalt  }
0x53: {  	_ =	shalt  }
0x54: {  	_ =	shalt  }
0x55: {  	_ =	shalt  }
0x56: {  	_ =	shalt  }
0x57: {  	_ =	shalt  }
0x58: {  	_ =	shalt  }
0x59: {  	_ =	shalt  }
0x5a: {  	_ =	shalt  }
0x5b: {  	_ =	shalt  }
0x5c: {  	_ =	shalt  }
0x5d: {  	_ =	shalt  }
0x5e: {  	_ =	shalt  }
0x5f: {  	_ =	shalt  }
0x60: {  	_ =	shalt  }
0x61: {  	_ =	shalt  }
0x62: {  	_ =	shalt  }
0x63: {  	_ =	shalt  }
0x64: {  	_ =	shalt  }
0x65: {  	_ =	shalt  }
0x66: {  	_ =	shalt  }
0x67: {  	_ =	shalt  }
0x68: {  	_ =	shalt  }
0x69: {  	_ =	shalt  }
0x6a: {  	_ =	shalt  }
0x6b: {  	_ =	shalt  }
0x6c: {  	_ =	shalt  }
0x6d: {  	_ =	shalt  }
0x6e: {  	_ =	shalt  }
0x6f: {  	_ =	shalt  }
0x70: {  	_ =	shalt  }
0x71: {  	_ =	shalt  }
0x72: {  	_ =	shalt  }
0x73: {  	_ =	shalt  }
0x74: {  	_ =	shalt  }
0x75: {  	_ =	shalt  }
0x76: {  	_ =	shalt  }
0x77: {  	_ =	shalt  }
0x78: {  	_ =	shalt  }
0x79: {  	_ =	shalt  }
0x7a: {  	_ =	shalt  }
0x7b: {  	_ =	shalt  }
0x7c: {  	_ =	shalt  }
0x7d: {  	_ =	shalt  }
0x7e: {  	_ =	shalt  }
0x7f: {  	_ =	shalt  }
0x80: {  	_ =	shalt  }
0x81: {  	_ =	shalt  }
0x82: {  	_ =	shalt  }
0x83: {  	_ =	shalt  }
0x84: {  	_ =	shalt  }
0x85: {  	_ =	shalt  }
0x86: {  	_ =	shalt  }
0x87: {  	_ =	shalt  }
.Lfunc_end0:
.L_simem_size_0:
called_computation_lowered:
.L_overlay_start_0:
0x88: {  	s2 =	sld [smem:$0x3FD9]  }
0x89: {  	s3 =	sld [smem:$0x3FFE];
	_ =	sdelay $0x1  }
0x8a: {  	s1 =	srdreg.scid  }
0x8b: {  	s0 =	sand.u32 $0x1, s1  }
0x8c: {  	s17 =	sshll.u32 s0, $0xA;
	s2 =	sadd.s32 s3, s2  }
0x8d: {  	s2 =	sadd.s32 s2, s17  }
0x8e: {  	[smem:$0x3FC4] =	sst s2  }
0x8f: {  	_ = 	snop  }
0x90: {  	s2 =	sld [smem:$0x3FC8];
	(tm) =	ssettm $0x1  }
0x91: {  	s18 =	sld [smem:$0x3FFB];
	_ =	sdelay $0x3  }
0x92: {  	_ =	strace s18  }
0x93: {  	s3 =	sld [smem:$0x3FFC];
	_ =	sdelay $0x3  }
0x94: {  	_ =	strace s3  }
0x95: {  	s3 =	sld [smem:$0x3FFD];
	_ =	sdelay $0x3  }
0x96: {  	_ =	strace s3  }
0x97: {  	_ =	strace $0x8FFFFFFF  }
0x98: {  	s19 =	sld [smem:$0x3FDB];
	_ =	sdelay $0x1  }
0x99: {  	s4 =	simm.s32 $_scs_section_size  }
0x9a: {  	s5 =	simm.s32 $_size__tile_overlayer_lowered;
	s6 =	simm.s32 $_tile_overlayer_lowered  }
0x9b: {  	s22 =	simm.s32 $0x1BFF;
	s21 =	sshll.u32 s6, $0x1;
	s3 =	sadd.s32 s4, s19  }
0x9c: {  	s7 =	simm.s32 $0x0;
	s20 =	sshll.u32 s5, $0x1;
	s5 =	sadd.s32 s21, s3  }
0x9d: {  	[timem:s7], [sflag:s22] =	dma.local [hbm:s5], s20  }
0x9e: {  	_ =	swait.ge [sflag:s22], s20  }
0x9f: {  	s4 =	ssub.s32 $0x0, s20;
	[sflag:s22] =	ssyncset.done $0x0  }
0xa0: {  	[sflag:s22] =	ssyncadd.s32 s4;
	_ =	sdelay $0x1  }
0xa1: {  	s23 =	simm.s32 $0x1B8B  }
0xa2: {  	_ =	swait.ge [sflag:s23], $0x1  }
0xa3: {  	[sflag:s23] =	ssyncset.done $0x0  }
0xa4: {  	s25 =	simm.s32 $0x1B8E;
	s24 =	sld [smem:$0x3FFE];
	[sflag:s23] =	ssyncadd.s32 $0xFFFFFFFF  }
0xa5: {  	s26 =	simm.s32 $execute0_lowered;
	[smem:$0x3FD2] =	sst s25  }
0xa6: {  	s5 =	sshll.u32 s26, $0x1;
	_ =	strace $0x80000046;
	[dreg:$0x1] =	wrdreg $0xFFFFFFFF  }
0xa7: {  	s28 =	simm.s32 $_size_execute0_lowered;
	s3 =	sadd.s32 s3, s5;
	[dreg:$0x0] =	wrdreg $0x0  }
0xa8: {  	s5 =	sshll.u32 s28, $0x1;
	[dreg:$0x2] =	wrdreg s3  }
0xa9: {  	[dreg:$0x3] =	wrdreg s5  }
0xaa: {  	[dreg:$0x4] =	wrdreg $0xC0  }
0xab: {  	_ =	task [dreg:s7], $0x5FFFF  }
0xac: {  	[dreg:$0x1] =	wrdreg $0xFFFFFFFF  }
0xad: {  	[dreg:$0x0] =	wrdreg $0x60  }
0xae: {  	[dreg:$0x2] =	wrdreg s2  }
0xaf: {  	[dreg:$0x3] =	wrdreg s24  }
0xb0: {  	[dreg:$0x4] =	wrdreg $0x9  }
0xb1: {  	_ =	task.clear_ibuf [dreg:s7], $0x5FFFF;
	_ =	strace $0x90000046  }
0xb2: {  	s29 =	simm.s32 $0x9;
	_ =	strace $0x80000048  }
0xb3: {  	_ =	swait.ge [sflag:s29], $0x1  }
0xb4: {  	[sflag:s29] =	ssyncadd.s32 $0xFFFFFFFF  }
0xb5: {  	_ =	strace $0x90000048  }
0xb6: {  	_ =	sfence  }
0xb7: {  	s30 =	sld [smem:$0x0];
	_ =	sdelay $0x2  }
0xb8: {  	s31 =	sshll.u32 s1, $0xD;
	s1 =	sshrl.u32 s1, $0x2  }
0xb9: {  	s3 =	sand.u32 $0x4000, s31;
	s1 =	sadd.s32 s1, s30  }
0xba: {  	s0 =	sor.u32 s3, s0;
	s1 =	sshll.u32 s1, $0x11  }
0xbb: {  	s0 =	sor.u32 s1, s0  }
0xbc: {  	s0 =	sadd.s32 $0x8F2B, s0  }
0xbd: {  	[sflag:s0] =	ssyncadd.remote.s32 $0x1  }
0xbe: {  	_ =	sfence.sel $0xFFFF  }
0xbf: {  	[dreg:$0x0] =	wrdreg $0xFFFFFFFF;
	(pc) =	sbr.abs _section_cstart, $3  }
0xc0: {  	[dreg:$0x1] =	wrdreg $0xFFFFFFFF  }
0xc1: {  	_ =	task.clear_ibuf [dreg:s7], $0x2FFFF;
	_ =	strace $0x9FFFFFFF  }
0xc2: {  	(tm) =	ssettm $0x7FFFFFFF  }
0xc3: {  	_ =	shalt  }
tec
execute0_lowered:
.L_overlay_start_1:
0x0: {  	(tag) =	ssettag $0x1  }
0x1: {  	s2 =	rddreg [dreg:$0x0]  }
0x2: {  	s5 =	rddreg [dreg:$0x1]  }
0x3: {  	s0 =	rddreg [dreg:$0x2]  }
0x4: {  	s4 =	srdreg.scid;
	s1 =	stileid.u32  }
0x5: {  	s3 =	simm.s32 $0x0;
	s10 =	simm.s32 $0x400;
	s11 =	simm.s32 $0x7A1400  }
0x6: {  	s12 =	simm.s32 $0x800;
	s13 =	simm.s32 $0x1;
	s14 =	simm.s32 $0x1000  }
0x7: {  	s15 =	simm.s32 $0x2;
	s16 =	simm.s32 $0x1800;
	s17 =	simm.s32 $0x3  }
0x8: {  	s18 =	simm.s32 $0x4;
	s19 =	simm.s32 $0x0;
	s6 =	sand.u32 $0x1, s4  }
.Ltmp0:
0x9: {  	s29 =	sshll.u32 s1, $0x1;
	[smem:$0x7FF] =	sst s3;
	(pc) =	sbr.rel .LBB2_1-.Ltmp0, $4  }
0xa: {  	s5 =	sadd.s32 $0xE00, s5;
	s4 =	sor.u32 s6, s29;
	s7 =	ssub.s32 $0x2, s6  }
0xb: {  	_ =	strace $0x80000047;
	s30 =	sshll.u32 s4, $0x7;
	s8 =	sshrl.u32 s7, $0x1  }
0xc: {  	v0 =	vlaneseq.u32;
	s31 =	ssub.s32 $0x1EC3, s4;
	s6 =	sadd.s32 s2, s30;
	s9 =	ssub.s32 s7, s8  }
0xd: {  	v0 =	vmul.u32 $0x80, v0;
	s8 =	sshrl.u32 s31, $0x6;
	s7 =	sadd.s32 $0x1000, s6;
	s9 =	smax.u32 s9, $0x1  }
.LBB2_11:
0xe: {  	s19 =	sadd.s32 $0x1, s19  }
0xf: {  	_ =	swait.ge [sflag:s17], $0x800;
	p0 =	sne.s32 s19, s9  }
.Ltmp1:
0x10: {  	[sflag:s17] =	ssyncset.done $0x0;
	(pc) =	sbr.rel @!p0 .LBB2_12-.Ltmp1, $4  }
0x11: {  	[sflag:s17] =	ssyncadd.s32 $0xFFFFF800  }
0x12: {  	_ =	swait.ge [sflag:s18], $0x800  }
0x13: {  	[sflag:s18] =	ssyncset.done $0x0  }
0x14: {  	[sflag:s18] =	ssyncadd.s32 $0xFFFFF800  }
.LBB2_1:
.Ltmp2:
0x15: {  	(pc) =	sbr.rel .LBB2_2-.Ltmp2, $4  }
0x16: {  	_ = 	snop  }
0x17: {  	[tilespmem:s3], [sflag:$0x1] =	stream.strided.gather [hbm4b:s6+s10], $0x800, s11, s10, $0x38;
	[tilespmem:$0x2000] =	vst v63  }
0x18: {  	s20 =	simm.s32 $0x0  }
0x19: {  	[tilespmem:s12], [sflag:$0x2] =	stream.strided.gather [hbm4b:s7+s10], $0x800, s11, s10, $0x38;
	[tilespmem:$0x2000] =	vst v63  }
.LBB2_10:
0x1a: {  	s20 =	sadd.s32 $0x1, s20  }
0x1b: {  	p0 =	sne.s32 s20, s8  }
.Ltmp3:
0x1c: {  	_ = 	snop;
	(pc) =	sbr.rel @!p0 .LBB2_11-.Ltmp3, $1  }
0x1d: {  	_ =	sdelay $0x3  }
.LBB2_2:
0x1e: {  	s22 =	sshll.u32 s20, $0x6  }
0x1f: {  	s21 =	sor.u32 s4, s22  }
0x20: {  	p0 =	sgt.s32 s21, $0x1E83  }
.Ltmp4:
0x21: {  	_ = 	snop;
	(pc) =	sbr.rel @p0 .LBB2_6-.Ltmp4, $1  }
0x22: {  	_ =	sdelay $0x3  }
0x23: {  	s23 =	simm.s32 $0x0  }
0x24: {  	v1 =	vmov s23  }
0x25: {  	v1 =	vand.u32 $0x78, v1  }
0x26: {  	v1 =	vbroadcast v1, $0x0  }
0x27: {  	_ =	swait.ge [sflag:s13], $0x800  }
0x28: {  	p0 =	slt.s32 s22, $0x40;
	[sflag:s13] =	ssyncset.done $0x0;
	v1 =	vor.u32 v0, v1  }
0x29: {  	s24 =	simm.s32 $0x1;
	s23 =	simm.s32 @!p0 $0x3;
	[sflag:s13] =	ssyncadd.s32 $0xFFFFF800  }
0x2a: {  	v2 =	vmov s24;
	_ =	swait.ge @!p0 [sflag:s23], $0x800  }
0x2b: {  	v2 =	vand.u32 $0x79, v2;
	[sflag:s23] =	ssyncset.done @!p0 $0x0  }
0x2c: {  	v2 =	vbroadcast v2, $0x0;
	[sflag:s23] =	ssyncadd.s32 @!p0 $0xFFFFF800  }
0x2d: {  	v1 =	vld.idx.msk [tilespmem:v1+s3+$0x0], $0xffff  }
0x2e: {  	v2 =	vor.u32 v0, v2  }
0x2f: {  	s25 =	simm.s32 $0x2  }
0x30: {  	v3 =	vmov s25  }
0x31: {  	v3 =	vand.u32 $0x7A, v3;
	s23 =	simm.s32 $0x1040  }
0x32: {  	[tilespmem:s23+$0xFFFFFFC0] =	vst v1;
	v1 =	vbroadcast v3, $0x0  }
0x33: {  	v2 =	vld.idx.msk [tilespmem:v2+s3+$0x0], $0xffff  }
0x34: {  	v1 =	vor.u32 v0, v1  }
0x35: {  	s26 =	simm.s32 $0x3  }
0x36: {  	v3 =	vmov s26  }
0x37: {  	v3 =	vand.u32 $0x7B, v3  }
0x38: {  	[tilespmem:s23+$0xFFFFFFD0] =	vst v2;
	v2 =	vbroadcast v3, $0x0  }
0x39: {  	v1 =	vld.idx.msk [tilespmem:v1+s3+$0x0], $0xffff  }
0x3a: {  	v2 =	vor.u32 v0, v2  }
0x3b: {  	s28 =	simm.s32 $0x4  }
0x3c: {  	v3 =	vmov s28  }
0x3d: {  	v3 =	vand.u32 $0x7C, v3  }
0x3e: {  	[tilespmem:s23+$0xFFFFFFE0] =	vst v1;
	v1 =	vbroadcast v3, $0x0  }
0x3f: {  	v2 =	vld.idx.msk [tilespmem:v2+s3+$0x0], $0xffff  }
0x40: {  	v1 =	vor.u32 v0, v1  }
0x41: {  	s29 =	simm.s32 $0x5  }
0x42: {  	v3 =	vmov s29  }
0x43: {  	v3 =	vand.u32 $0x7D, v3  }
0x44: {  	[tilespmem:s23+$0xFFFFFFF0] =	vst v2;
	v2 =	vbroadcast v3, $0x0  }
0x45: {  	v1 =	vld.idx.msk [tilespmem:v1+s3+$0x0], $0xffff  }
0x46: {  	v2 =	vor.u32 v0, v2  }
0x47: {  	s30 =	simm.s32 $0x6  }
0x48: {  	v3 =	vmov s30  }
0x49: {  	v3 =	vand.u32 $0x7E, v3  }
0x4a: {  	[tilespmem:s23+$0x0] =	vst v1;
	v1 =	vbroadcast v3, $0x0  }
0x4b: {  	v2 =	vld.idx.msk [tilespmem:v2+s3+$0x0], $0xffff  }
0x4c: {  	v1 =	vor.u32 v0, v1  }
0x4d: {  	s31 =	simm.s32 $0x7  }
0x4e: {  	v3 =	vmov s31  }
0x4f: {  	v3 =	vand.u32 $0x7F, v3  }
0x50: {  	v3 =	vbroadcast v3, $0x0;
	[tilespmem:s23+$0x10] =	vst v2  }
0x51: {  	v1 =	vld.idx.msk [tilespmem:v1+s3+$0x0], $0xffff  }
0x52: {  	v2 =	vor.u32 v0, v3;
	_ =	sdelay $0x1  }
0x53: {  	s24 =	simm.s32 $0xF;
	s25 =	simm.s32 $0x17;
	s26 =	simm.s32 $0x8  }
.LBB2_4:
0x54: {  	p0 =	sne.s32 s25, $0x7F;
	v3 =	vmov s26  }
0x55: {  	v3 =	vand.u32 $0x78, v3;
	[tilespmem:s23+$0x20] =	vst v1  }
0x56: {  	v1 =	vbroadcast v3, $0x0;
	v2 =	vld.idx.msk [tilespmem:v2+s3+$0x0], $0xffff;
	_ =	sdelay $0x1  }
0x57: {  	v1 =	vor.u32 v0, v1;
	_ =	sdelay $0x1  }
0x58: {  	s26 =	sadd.s32 $0xFFFFFFFA, s24  }
0x59: {  	v3 =	vmov s26  }
0x5a: {  	v3 =	vand.u32 $0x79, v3;
	[tilespmem:s23+$0x30] =	vst v2  }
0x5b: {  	v2 =	vbroadcast v3, $0x0;
	v1 =	vld.idx.msk [tilespmem:v1+s3+$0x0], $0xffff;
	_ =	sdelay $0x1  }
0x5c: {  	v2 =	vor.u32 v0, v2;
	_ =	sdelay $0x1  }
0x5d: {  	s26 =	sadd.s32 $0xFFFFFFFB, s24  }
0x5e: {  	v3 =	vmov s26;
	s23 =	sadd.s32 $0x80, s23  }
0x5f: {  	[tilespmem:s23+$0xFFFFFFC0] =	vst v1;
	v1 =	vand.u32 $0x7A, v3  }
0x60: {  	v2 =	vld.idx.msk [tilespmem:v2+s3+$0x0], $0xffff;
	v1 =	vbroadcast v1, $0x0;
	_ =	sdelay $0x1  }
0x61: {  	v1 =	vor.u32 v0, v1;
	_ =	sdelay $0x1  }
0x62: {  	s26 =	sadd.s32 $0xFFFFFFFC, s24  }
0x63: {  	v3 =	vmov s26  }
0x64: {  	[tilespmem:s23+$0xFFFFFFD0] =	vst v2;
	v2 =	vand.u32 $0x7B, v3  }
0x65: {  	v1 =	vld.idx.msk [tilespmem:v1+s3+$0x0], $0xffff;
	v2 =	vbroadcast v2, $0x0;
	_ =	sdelay $0x1  }
0x66: {  	v2 =	vor.u32 v0, v2;
	_ =	sdelay $0x1  }
0x67: {  	s26 =	sadd.s32 $0xFFFFFFFD, s24  }
0x68: {  	v3 =	vmov s26  }
0x69: {  	[tilespmem:s23+$0xFFFFFFE0] =	vst v1;
	v1 =	vand.u32 $0x7C, v3  }
0x6a: {  	v2 =	vld.idx.msk [tilespmem:v2+s3+$0x0], $0xffff;
	v1 =	vbroadcast v1, $0x0;
	_ =	sdelay $0x1  }
0x6b: {  	v1 =	vor.u32 v0, v1;
	_ =	sdelay $0x1  }
0x6c: {  	s26 =	sadd.s32 $0xFFFFFFFE, s24  }
0x6d: {  	v3 =	vmov s26  }
0x6e: {  	[tilespmem:s23+$0xFFFFFFF0] =	vst v2;
	v2 =	vand.u32 $0x7D, v3  }
0x6f: {  	v1 =	vld.idx.msk [tilespmem:v1+s3+$0x0], $0xffff;
	v2 =	vbroadcast v2, $0x0;
	_ =	sdelay $0x1  }
0x70: {  	v2 =	vor.u32 v0, v2;
	_ =	sdelay $0x1  }
0x71: {  	s26 =	sadd.s32 $0xFFFFFFFF, s24  }
0x72: {  	v3 =	vmov s26  }
0x73: {  	[tilespmem:s23+$0x0] =	vst v1;
	v1 =	vand.u32 $0x7E, v3  }
0x74: {  	v2 =	vld.idx.msk [tilespmem:v2+s3+$0x0], $0xffff;
	v1 =	vbroadcast v1, $0x0;
	_ =	sdelay $0x1  }
0x75: {  	v1 =	vor.u32 v0, v1;
	_ =	sdelay $0x2  }
0x76: {  	v3 =	vmov s24;
	s24 =	smov.u32 s25  }
0x77: {  	[tilespmem:s23+$0x10] =	vst v2;
	v2 =	vand.u32 $0x7F, v3  }
.Ltmp5:
0x78: {  	v1 =	vld.idx.msk [tilespmem:v1+s3+$0x0], $0xffff;
	v2 =	vbroadcast v2, $0x0;
	(pc) =	sbr.rel @p0 .LBB2_4-.Ltmp5, $3  }
0x79: {  	_ = 	snop  }
0x7a: {  	v2 =	vor.u32 v0, v2;
	_ =	sdelay $0x1  }
0x7b: {  	s25 =	sadd.s32 $0x8, s25;
	s26 =	sadd.s32 $0xFFFFFFF9, s24  }
0x7c: {  	_ = 	snop  }
0x7d: {  	v3 =	vmov s26  }
0x7e: {  	v3 =	vand.u32 $0x78, v3  }
0x7f: {  	[tilespmem:s23+$0x20] =	vst v1;
	v1 =	vbroadcast v3, $0x0  }
0x80: {  	v2 =	vld.idx.msk [tilespmem:v2+s3+$0x0], $0xffff  }
0x81: {  	v1 =	vor.u32 v0, v1  }
0x82: {  	s25 =	sadd.s32 $0xFFFFFFFA, s24  }
0x83: {  	v3 =	vmov s25  }
0x84: {  	v3 =	vand.u32 $0x79, v3  }
0x85: {  	[tilespmem:s23+$0x30] =	vst v2;
	v2 =	vbroadcast v3, $0x0  }
0x86: {  	v1 =	vld.idx.msk [tilespmem:v1+s3+$0x0], $0xffff  }
0x87: {  	v2 =	vor.u32 v0, v2  }
0x88: {  	s30 =	sadd.s32 $0xFFFFFFFB, s24  }
0x89: {  	v3 =	vmov s30  }
0x8a: {  	s31 =	sadd.s32 $0x80, s23;
	v3 =	vand.u32 $0x7A, v3  }
0x8b: {  	[tilespmem:s31+$0xFFFFFFC0] =	vst v1;
	v1 =	vbroadcast v3, $0x0  }
0x8c: {  	v2 =	vld.idx.msk [tilespmem:v2+s3+$0x0], $0xffff  }
0x8d: {  	v1 =	vor.u32 v0, v1  }
0x8e: {  	s26 =	sadd.s32 $0xFFFFFFFC, s24  }
0x8f: {  	v3 =	vmov s26  }
0x90: {  	v3 =	vand.u32 $0x7B, v3  }
0x91: {  	[tilespmem:s31+$0xFFFFFFD0] =	vst v2;
	v2 =	vbroadcast v3, $0x0  }
0x92: {  	v1 =	vld.idx.msk [tilespmem:v1+s3+$0x0], $0xffff  }
0x93: {  	v2 =	vor.u32 v0, v2  }
0x94: {  	s28 =	sadd.s32 $0xFFFFFFFD, s24  }
0x95: {  	v3 =	vmov s28  }
0x96: {  	v3 =	vand.u32 $0x7C, v3  }
0x97: {  	[tilespmem:s31+$0xFFFFFFE0] =	vst v1;
	v1 =	vbroadcast v3, $0x0  }
0x98: {  	v2 =	vld.idx.msk [tilespmem:v2+s3+$0x0], $0xffff  }
0x99: {  	v1 =	vor.u32 v0, v1  }
0x9a: {  	s29 =	sadd.s32 $0xFFFFFFFE, s24  }
0x9b: {  	v3 =	vmov s29  }
0x9c: {  	v3 =	vand.u32 $0x7D, v3  }
0x9d: {  	[tilespmem:s31+$0xFFFFFFF0] =	vst v2;
	v2 =	vbroadcast v3, $0x0  }
0x9e: {  	v1 =	vld.idx.msk [tilespmem:v1+s3+$0x0], $0xffff  }
0x9f: {  	v2 =	vor.u32 v0, v2  }
0xa0: {  	s30 =	sadd.s32 $0xFFFFFFFF, s24  }
0xa1: {  	v3 =	vmov s30  }
0xa2: {  	v3 =	vand.u32 $0x7E, v3  }
0xa3: {  	[tilespmem:s31+$0x0] =	vst v1;
	v1 =	vbroadcast v3, $0x0  }
0xa4: {  	v2 =	vld.idx.msk [tilespmem:v2+s3+$0x0], $0xffff  }
0xa5: {  	v1 =	vor.u32 v0, v1;
	_ =	sdelay $0x1  }
0xa6: {  	v3 =	vmov s24  }
0xa7: {  	v3 =	vand.u32 $0x7F, v3  }
0xa8: {  	[tilespmem:s31+$0x10] =	vst v2;
	v2 =	vbroadcast v3, $0x0  }
0xa9: {  	v1 =	vld.idx.msk [tilespmem:v1+s3+$0x0], $0xffff  }
0xaa: {  	v2 =	vor.u32 v0, v2;
	_ =	sdelay $0x3  }
0xab: {  	[tilespmem:s31+$0x20] =	vst v1  }
0xac: {  	v1 =	vld.idx.msk [tilespmem:v2+s3+$0x0], $0xffff  }
0xad: {  	p0 =	sgt.s32 s21, $0x1E43  }
0xae: {  	s24 =	sshll.u32 @!p0 s21, $0x7  }
0xaf: {  	s25 =	simm.s32 @!p0 $0x7A1400;
	s24 =	sadd.s32 @!p0 $0x2000, s24  }
0xb0: {  	s23 =	simm.s32 @!p0 $0x400;
	s24 =	sand.u32 @!p0 $0x1FFFFF80, s24  }
0xb1: {  	s26 =	simm.s32 @!p0 $0x0;
	s24 =	sadd.s32 @!p0 s2, s24;
	[tilespmem:s31+$0x30] =	vst v1;
	s31 =	sshll.u32 s21, $0x8  }
0xb2: {  	[tilespmem:s26], [sflag:$0x1] =	stream.strided.gather @!p0 [hbm4b:s24+s23], $0x800, s25, s23, $0x38;
	[tilespmem:$0x2000] =	vst v63  }
0xb3: {  	s23 =	sand.u32 $0x1FFFDF00, s31  }
0xb4: {  	s23 =	sadd.s32 s5, s23  }
0xb5: {  	[hbm4b:s23+s3] =	stream.linear.scatter [tilespmem:s14], [sflag:$0x3], $0x800, $0x38;
	[tilespmem:$0x2000] =	vst v63  }
.LBB2_6:
0xb6: {  	s23 =	sor.u32 $0x20, s21  }
0xb7: {  	p0 =	sgt.s32 s23, $0x1E83  }
.Ltmp6:
0xb8: {  	_ = 	snop;
	(pc) =	sbr.rel @p0 .LBB2_10-.Ltmp6, $1  }
0xb9: {  	_ =	sdelay $0x3  }
0xba: {  	s24 =	simm.s32 $0x0  }
0xbb: {  	v1 =	vmov s24  }
0xbc: {  	v1 =	vand.u32 $0x78, v1  }
0xbd: {  	v1 =	vbroadcast v1, $0x0  }
0xbe: {  	_ =	swait.ge [sflag:s15], $0x800  }
0xbf: {  	p0 =	slt.s32 s22, $0x20;
	[sflag:s15] =	ssyncset.done $0x0;
	v1 =	vor.u32 v0, v1  }
0xc0: {  	s31 =	simm.s32 $0x1;
	s22 =	simm.s32 @!p0 $0x4;
	[sflag:s15] =	ssyncadd.s32 $0xFFFFF800  }
0xc1: {  	v2 =	vmov s31;
	_ =	swait.ge @!p0 [sflag:s22], $0x800  }
0xc2: {  	v2 =	vand.u32 $0x79, v2;
	[sflag:s22] =	ssyncset.done @!p0 $0x0  }
0xc3: {  	v2 =	vbroadcast v2, $0x0;
	[sflag:s22] =	ssyncadd.s32 @!p0 $0xFFFFF800  }
0xc4: {  	v1 =	vld.idx.msk [tilespmem:v1+s12+$0x0], $0xffff  }
0xc5: {  	v2 =	vor.u32 v0, v2  }
0xc6: {  	s25 =	simm.s32 $0x2  }
0xc7: {  	v3 =	vmov s25  }
0xc8: {  	v3 =	vand.u32 $0x7A, v3;
	s22 =	simm.s32 $0x1840  }
0xc9: {  	[tilespmem:s22+$0xFFFFFFC0] =	vst v1;
	v1 =	vbroadcast v3, $0x0  }
0xca: {  	v2 =	vld.idx.msk [tilespmem:v2+s12+$0x0], $0xffff  }
0xcb: {  	v1 =	vor.u32 v0, v1  }
0xcc: {  	s26 =	simm.s32 $0x3  }
0xcd: {  	v3 =	vmov s26  }
0xce: {  	v3 =	vand.u32 $0x7B, v3  }
0xcf: {  	[tilespmem:s22+$0xFFFFFFD0] =	vst v2;
	v2 =	vbroadcast v3, $0x0  }
0xd0: {  	v1 =	vld.idx.msk [tilespmem:v1+s12+$0x0], $0xffff  }
0xd1: {  	v2 =	vor.u32 v0, v2  }
0xd2: {  	s28 =	simm.s32 $0x4  }
0xd3: {  	v3 =	vmov s28  }
0xd4: {  	v3 =	vand.u32 $0x7C, v3  }
0xd5: {  	[tilespmem:s22+$0xFFFFFFE0] =	vst v1;
	v1 =	vbroadcast v3, $0x0  }
0xd6: {  	v2 =	vld.idx.msk [tilespmem:v2+s12+$0x0], $0xffff  }
0xd7: {  	v1 =	vor.u32 v0, v1  }
0xd8: {  	s29 =	simm.s32 $0x5  }
0xd9: {  	v3 =	vmov s29  }
0xda: {  	v3 =	vand.u32 $0x7D, v3  }
0xdb: {  	[tilespmem:s22+$0xFFFFFFF0] =	vst v2;
	v2 =	vbroadcast v3, $0x0  }
0xdc: {  	v1 =	vld.idx.msk [tilespmem:v1+s12+$0x0], $0xffff  }
0xdd: {  	v2 =	vor.u32 v0, v2  }
0xde: {  	s30 =	simm.s32 $0x6  }
0xdf: {  	v3 =	vmov s30  }
0xe0: {  	v3 =	vand.u32 $0x7E, v3  }
0xe1: {  	[tilespmem:s22+$0x0] =	vst v1;
	v1 =	vbroadcast v3, $0x0  }
0xe2: {  	v2 =	vld.idx.msk [tilespmem:v2+s12+$0x0], $0xffff  }
0xe3: {  	v1 =	vor.u32 v0, v1  }
0xe4: {  	s31 =	simm.s32 $0x7  }
0xe5: {  	v3 =	vmov s31  }
0xe6: {  	v3 =	vand.u32 $0x7F, v3  }
0xe7: {  	v3 =	vbroadcast v3, $0x0;
	[tilespmem:s22+$0x10] =	vst v2  }
0xe8: {  	v1 =	vld.idx.msk [tilespmem:v1+s12+$0x0], $0xffff  }
0xe9: {  	v2 =	vor.u32 v0, v3;
	_ =	sdelay $0x1  }
0xea: {  	s24 =	simm.s32 $0xF;
	s25 =	simm.s32 $0x17;
	s26 =	simm.s32 $0x8  }
.LBB2_8:
0xeb: {  	p0 =	sne.s32 s25, $0x7F;
	v3 =	vmov s26  }
0xec: {  	v3 =	vand.u32 $0x78, v3;
	[tilespmem:s22+$0x20] =	vst v1  }
0xed: {  	v1 =	vbroadcast v3, $0x0;
	v2 =	vld.idx.msk [tilespmem:v2+s12+$0x0], $0xffff;
	_ =	sdelay $0x1  }
0xee: {  	v1 =	vor.u32 v0, v1;
	_ =	sdelay $0x1  }
0xef: {  	s26 =	sadd.s32 $0xFFFFFFFA, s24  }
0xf0: {  	v3 =	vmov s26  }
0xf1: {  	v3 =	vand.u32 $0x79, v3;
	[tilespmem:s22+$0x30] =	vst v2  }
0xf2: {  	v2 =	vbroadcast v3, $0x0;
	v1 =	vld.idx.msk [tilespmem:v1+s12+$0x0], $0xffff;
	_ =	sdelay $0x1  }
0xf3: {  	v2 =	vor.u32 v0, v2;
	_ =	sdelay $0x1  }
0xf4: {  	s26 =	sadd.s32 $0xFFFFFFFB, s24  }
0xf5: {  	v3 =	vmov s26;
	s22 =	sadd.s32 $0x80, s22  }
0xf6: {  	[tilespmem:s22+$0xFFFFFFC0] =	vst v1;
	v1 =	vand.u32 $0x7A, v3  }
0xf7: {  	v2 =	vld.idx.msk [tilespmem:v2+s12+$0x0], $0xffff;
	v1 =	vbroadcast v1, $0x0;
	_ =	sdelay $0x1  }
0xf8: {  	v1 =	vor.u32 v0, v1;
	_ =	sdelay $0x1  }
0xf9: {  	s26 =	sadd.s32 $0xFFFFFFFC, s24  }
0xfa: {  	v3 =	vmov s26  }
0xfb: {  	[tilespmem:s22+$0xFFFFFFD0] =	vst v2;
	v2 =	vand.u32 $0x7B, v3  }
0xfc: {  	v1 =	vld.idx.msk [tilespmem:v1+s12+$0x0], $0xffff;
	v2 =	vbroadcast v2, $0x0;
	_ =	sdelay $0x1  }
0xfd: {  	v2 =	vor.u32 v0, v2;
	_ =	sdelay $0x1  }
0xfe: {  	s26 =	sadd.s32 $0xFFFFFFFD, s24  }
0xff: {  	v3 =	vmov s26  }
0x100: {  	[tilespmem:s22+$0xFFFFFFE0] =	vst v1;
	v1 =	vand.u32 $0x7C, v3  }
0x101: {  	v2 =	vld.idx.msk [tilespmem:v2+s12+$0x0], $0xffff;
	v1 =	vbroadcast v1, $0x0;
	_ =	sdelay $0x1  }
0x102: {  	v1 =	vor.u32 v0, v1;
	_ =	sdelay $0x1  }
0x103: {  	s26 =	sadd.s32 $0xFFFFFFFE, s24  }
0x104: {  	v3 =	vmov s26  }
0x105: {  	[tilespmem:s22+$0xFFFFFFF0] =	vst v2;
	v2 =	vand.u32 $0x7D, v3  }
0x106: {  	v1 =	vld.idx.msk [tilespmem:v1+s12+$0x0], $0xffff;
	v2 =	vbroadcast v2, $0x0;
	_ =	sdelay $0x1  }
0x107: {  	v2 =	vor.u32 v0, v2;
	_ =	sdelay $0x1  }
0x108: {  	s26 =	sadd.s32 $0xFFFFFFFF, s24  }
0x109: {  	v3 =	vmov s26  }
0x10a: {  	[tilespmem:s22+$0x0] =	vst v1;
	v1 =	vand.u32 $0x7E, v3  }
0x10b: {  	v2 =	vld.idx.msk [tilespmem:v2+s12+$0x0], $0xffff;
	v1 =	vbroadcast v1, $0x0;
	_ =	sdelay $0x1  }
0x10c: {  	v1 =	vor.u32 v0, v1;
	_ =	sdelay $0x2  }
0x10d: {  	v3 =	vmov s24;
	s24 =	smov.u32 s25  }
0x10e: {  	[tilespmem:s22+$0x10] =	vst v2;
	v2 =	vand.u32 $0x7F, v3  }
.Ltmp7:
0x10f: {  	v1 =	vld.idx.msk [tilespmem:v1+s12+$0x0], $0xffff;
	v2 =	vbroadcast v2, $0x0;
	(pc) =	sbr.rel @p0 .LBB2_8-.Ltmp7, $3  }
0x110: {  	_ = 	snop  }
0x111: {  	v2 =	vor.u32 v0, v2;
	_ =	sdelay $0x1  }
0x112: {  	s25 =	sadd.s32 $0x8, s25;
	s26 =	sadd.s32 $0xFFFFFFF9, s24  }
0x113: {  	_ = 	snop  }
0x114: {  	v3 =	vmov s26  }
0x115: {  	v3 =	vand.u32 $0x78, v3  }
0x116: {  	[tilespmem:s22+$0x20] =	vst v1;
	v1 =	vbroadcast v3, $0x0  }
0x117: {  	v2 =	vld.idx.msk [tilespmem:v2+s12+$0x0], $0xffff  }
0x118: {  	v1 =	vor.u32 v0, v1  }
0x119: {  	s25 =	sadd.s32 $0xFFFFFFFA, s24  }
0x11a: {  	v3 =	vmov s25  }
0x11b: {  	v3 =	vand.u32 $0x79, v3  }
0x11c: {  	[tilespmem:s22+$0x30] =	vst v2;
	v2 =	vbroadcast v3, $0x0  }
0x11d: {  	v1 =	vld.idx.msk [tilespmem:v1+s12+$0x0], $0xffff  }
0x11e: {  	v2 =	vor.u32 v0, v2  }
0x11f: {  	s30 =	sadd.s32 $0xFFFFFFFB, s24  }
0x120: {  	v3 =	vmov s30  }
0x121: {  	s31 =	sadd.s32 $0x80, s22;
	v3 =	vand.u32 $0x7A, v3  }
0x122: {  	[tilespmem:s31+$0xFFFFFFC0] =	vst v1;
	v1 =	vbroadcast v3, $0x0  }
0x123: {  	v2 =	vld.idx.msk [tilespmem:v2+s12+$0x0], $0xffff  }
0x124: {  	v1 =	vor.u32 v0, v1  }
0x125: {  	s26 =	sadd.s32 $0xFFFFFFFC, s24  }
0x126: {  	v3 =	vmov s26  }
0x127: {  	v3 =	vand.u32 $0x7B, v3  }
0x128: {  	[tilespmem:s31+$0xFFFFFFD0] =	vst v2;
	v2 =	vbroadcast v3, $0x0  }
0x129: {  	v1 =	vld.idx.msk [tilespmem:v1+s12+$0x0], $0xffff  }
0x12a: {  	v2 =	vor.u32 v0, v2  }
0x12b: {  	s28 =	sadd.s32 $0xFFFFFFFD, s24  }
0x12c: {  	v3 =	vmov s28  }
0x12d: {  	v3 =	vand.u32 $0x7C, v3  }
0x12e: {  	[tilespmem:s31+$0xFFFFFFE0] =	vst v1;
	v1 =	vbroadcast v3, $0x0  }
0x12f: {  	v2 =	vld.idx.msk [tilespmem:v2+s12+$0x0], $0xffff  }
0x130: {  	v1 =	vor.u32 v0, v1  }
0x131: {  	s29 =	sadd.s32 $0xFFFFFFFE, s24  }
0x132: {  	v3 =	vmov s29  }
0x133: {  	v3 =	vand.u32 $0x7D, v3  }
0x134: {  	[tilespmem:s31+$0xFFFFFFF0] =	vst v2;
	v2 =	vbroadcast v3, $0x0  }
0x135: {  	v1 =	vld.idx.msk [tilespmem:v1+s12+$0x0], $0xffff  }
0x136: {  	v2 =	vor.u32 v0, v2  }
0x137: {  	s30 =	sadd.s32 $0xFFFFFFFF, s24  }
0x138: {  	v3 =	vmov s30  }
0x139: {  	v3 =	vand.u32 $0x7E, v3  }
0x13a: {  	[tilespmem:s31+$0x0] =	vst v1;
	v1 =	vbroadcast v3, $0x0  }
0x13b: {  	v2 =	vld.idx.msk [tilespmem:v2+s12+$0x0], $0xffff  }
0x13c: {  	v1 =	vor.u32 v0, v1;
	_ =	sdelay $0x1  }
0x13d: {  	v3 =	vmov s24  }
0x13e: {  	v3 =	vand.u32 $0x7F, v3  }
0x13f: {  	[tilespmem:s31+$0x10] =	vst v2;
	v2 =	vbroadcast v3, $0x0  }
0x140: {  	v1 =	vld.idx.msk [tilespmem:v1+s12+$0x0], $0xffff  }
0x141: {  	v2 =	vor.u32 v0, v2;
	_ =	sdelay $0x3  }
0x142: {  	[tilespmem:s31+$0x20] =	vst v1  }
0x143: {  	s21 =	sadd.s32 $0x60, s21;
	v1 =	vld.idx.msk [tilespmem:v2+s12+$0x0], $0xffff  }
0x144: {  	p0 =	sgt.s32 s21, $0x1E83  }
0x145: {  	s21 =	sshll.u32 @!p0 s21, $0x7  }
0x146: {  	s21 =	sand.u32 @!p0 $0x1FFFFF80, s21  }
0x147: {  	s25 =	simm.s32 @!p0 $0x800;
	s21 =	sadd.s32 @!p0 s2, s21;
	s22 =	simm.s32 @!p0 $0x400  }
.Ltmp8:
0x148: {  	s24 =	simm.s32 @!p0 $0x7A1400;
	[tilespmem:s31+$0x30] =	vst v1;
	s31 =	sshll.u32 s23, $0x8;
	(pc) =	sbr.rel .LBB2_10-.Ltmp8, $4  }
0x149: {  	[tilespmem:s25], [sflag:$0x2] =	stream.strided.gather @!p0 [hbm4b:s21+s22], $0x800, s24, s22, $0x38;
	[tilespmem:$0x2000] =	vst v63  }
0x14a: {  	s21 =	sand.u32 $0x1FFFFF00, s31  }
0x14b: {  	s21 =	sadd.s32 s5, s21  }
0x14c: {  	[hbm4b:s21+s3] =	stream.linear.scatter [tilespmem:s16], [sflag:$0x4], $0x800, $0x38;
	[tilespmem:$0x2000] =	vst v63  }
.LBB2_12:
0x14d: {  	_ =	sfence.sel $0x180000  }
0x14e: {  	[bflag:$0x0] =	sbarrier.arrive $0xFFFF  }
0x14f: {  	p0 =	sne.s32 s1, $0x0;
	_ =	strace $0x90000047  }
0x150: {  	s0 =	sadd.s32 @!p0 $0x100000, s0;
	[bflag:$0x2] =	sbarrier.arrive $0xFFFF  }
0x151: {  	[sflag:s0] =	ssyncadd.tile.s32 @!p0 $0x1;
	_ =	shalt  }
.Lfunc_end2:
_tile_overlayer_lowered:
.L_overlay_start_2:
0x152: {  	(tag) =	ssettag $0x2  }
0x153: {  	s0 =	rddreg [dreg:$0x0];
	s2 =	stileid.u32  }
0x154: {  	s1 =	rddreg [dreg:$0x1];
	p0 =	sne.s32 s2, $0x0  }
0x155: {  	s3 =	rddreg [dreg:$0x2];
	[bflag:$0x3] =	sbarrier.arrive $0xFFFF;
	s2 =	simm.s32 @!p0 $0x1C05  }
0x156: {  	[timem:s3], [sflag:s2] =	dma.local @!p0 [hbm:s0], s1  }
0x157: {  	s0 =	simm.s32 @!p0 $0x5  }
0x158: {  	_ =	swait.ge @!p0 [sflag:s0], s1  }
0x159: {  	s1 =	ssub.s32 @!p0 $0x0, s1;
	[sflag:s0] =	ssyncset.done @!p0 $0x0  }
0x15a: {  	[sflag:s0] =	ssyncadd.s32 @!p0 s1  }
0x15b: {  	[bflag:$0x3] =	sbarrier.arrive $0xFFFF  }
0x15c: {  	_ =	shalt  }

// kernel: kernel.8.cloned.1.call-start
scs
__scs_entry_jumppad:
0x0: {  	(pc) =	sbr.rel $0x88, $3  }
0x1: {  	(tag) =	ssettag $0x0;
	lr =	simm.s32 $0x1  }
0x2: {  	[smem:$0x3F9D] =	sst lr;
	_ =	strace $0xD0000000  }
0x3: {  	_ = 	snop  }
0x4: {  	_ = 	snop  }
0x5: {  	_ = 	snop  }
0x6: {  	_ = 	snop  }
0x7: {  	_ = 	snop  }
__scs_overlays_trampoline_lowered:
0x8: {  	[smem:$0x3FAC] =	sst s0  }
0x9: {  	[smem:$0x3FAD] =	sst s1  }
0xa: {  	[smem:$0x3FAE] =	sst s2  }
0xb: {  	[smem:$0x3FAF] =	sst s3  }
0xc: {  	[smem:$0x3FB0] =	sst s4  }
0xd: {  	[smem:$0x3FB1] =	sst s5  }
0xe: {  	[smem:$0x3FB2] =	sst s6  }
0xf: {  	[smem:$0x3FB3] =	sst s7  }
0x10: {  	[smem:$0x3FB4] =	sst s8  }
0x11: {  	[smem:$0x3FB5] =	sst s9;
	s0 =	simm.s32 @!p0 $0x0  }
0x12: {  	s1 =	sld [smem:$0x3F9B];
	s0 =	simm.s32 @p0 $0x1  }
0x13: {  	[smem:$0x3FB6] =	sst s0;
	s0 =	simm.s32 @!p1 $0x0  }
0x14: {  	s2 =	sld [smem:$0x3F9A];
	s0 =	simm.s32 @p1 $0x1  }
0x15: {  	[smem:$0x3FB7] =	sst s0;
	s0 =	simm.s32 @!p2 $0x0  }
0x16: {  	s3 =	sld [smem:$0x3FDB];
	s0 =	simm.s32 @p2 $0x1  }
0x17: {  	s4 =	simm.s32 $0x1BF5;
	[smem:$0x3FB9] =	sst s0  }
0x18: {  	s0 =	sld [smem:$0x3F9C];
	_ =	swait.ge [sflag:s4], $0x0  }
0x19: {  	s7 =	sld [smem:$0x3F9D]  }
0x1a: {  	s8 =	sadd.s32 $0xFFFFE003, lr  }
0x1b: {  	s9 =	sadd.s32 $0xFFFFFEF7, lr;
	s5 =	simm.s32 $0xFFFFFFFF;
	p2 =	slt.u32 s8, $0xFFFFF086  }
0x1c: {  	p1 =	slt.u32 s9, $0xF7A;
	s5 =	simm.s32 @!p2 $0x0  }
0x1d: {  	s5 =	simm.s32 @p1 $0x1;
	p0 =	seq.s32 s7, s2  }
0x1e: {  	s7 =	smul.u32 @!p0 $0xF7A, s2;
	p2 =	seq.s32 @!p0 s5, $0x0  }
0x1f: {  	s9 =	smul.u32 $0xF7A, s1;
	s8 =	simm.s32 @!p0 $0x1BF5;
	p2 =	por !p2, p0  }
0x20: {  	[sflag:s8] =	ssyncset.s32 @!p0 $0xFFFFF086;
	s6 =	sadd.s32 @!p0 s3, s7;
	s7 =	simm.s32 @!p0 $0x108  }
0x21: {  	s3 =	sadd.s32 s3, s9;
	s6 =	sadd.s32 @!p0 $0x88, s6;
	s7 =	simm.s32 @p2 $0x1082  }
0x22: {  	[simem:s7], [sflag:s8] =	dma.local @!p0 [hbm:s6], $0xF7A  }
0x23: {  	s9 =	sor.u32 $0xD0000000, s2;
	s6 =	simm.s32 $0x108;
	_ =	swait.ge @!p0 [sflag:s8], $0x0  }
0x24: {  	s3 =	sadd.s32 $0x88, s3;
	s6 =	simm.s32 @!p1 $0x1082;
	[sflag:s4] =	ssyncset.s32 $0xFFFFF086  }
0x25: {  	[simem:s6], [sflag:s4] =	dma.local [hbm:s3], $0xF7A  }
0x26: {  	[smem:$0x3F9D] =	sst s1;
	(tag) =	ssettag s2;
	_ =	strace s9  }
0x27: {  	s1 =	sld [smem:$0x3FAD]  }
0x28: {  	s2 =	sld [smem:$0x3FAE]  }
0x29: {  	s4 =	sld [smem:$0x3FB0]  }
0x2a: {  	p0 =	seq.s32 s5, $0x0;
	s5 =	sld [smem:$0x3FB1]  }
0x2b: {  	s6 =	sld [smem:$0x3FB2]  }
0x2c: {  	s7 =	sld [smem:$0x3FB3]  }
0x2d: {  	s3 =	simm.s32 $0x108;
	s8 =	sld [smem:$0x3FB4]  }
0x2e: {  	s3 =	simm.s32 @!p0 $0x1082;
	s9 =	sld [smem:$0x3FB5]  }
0x2f: {  	lr =	sadd.s32 s0, s3;
	s0 =	sld [smem:$0x3FAC]  }
0x30: {  	s3 =	sld [smem:$0x3FAF]  }
0x31: {  	[smem:$0x3FB8] =	sst s10  }
0x32: {  	s10 =	sld [smem:$0x3FB6];
	_ =	sdelay $0x3  }
0x33: {  	p0 =	seq.s32 s10, $0x1;
	s10 =	sld [smem:$0x3FB8];
	_ =	sdelay $0x3  }
0x34: {  	[smem:$0x3FB8] =	sst s10  }
0x35: {  	s10 =	sld [smem:$0x3FB7];
	_ =	sdelay $0x3  }
0x36: {  	p1 =	seq.s32 s10, $0x1;
	s10 =	sld [smem:$0x3FB8];
	_ =	sdelay $0x3  }
0x37: {  	[smem:$0x3FB8] =	sst s10  }
0x38: {  	s10 =	sld [smem:$0x3FB9]  }
0x39: {  	_ = 	snop;
	(pc) =	sbr.ind lr, $3  }
0x3a: {  	_ = 	snop  }
0x3b: {  	_ = 	snop  }
0x3c: {  	p2 =	seq.s32 s10, $0x1;
	s10 =	sld [smem:$0x3FB8]  }
0x3d: {  	_ =	shalt  }
0x3e: {  	_ =	shalt  }
0x3f: {  	_ =	shalt  }
0x40: {  	_ =	shalt  }
0x41: {  	_ =	shalt  }
0x42: {  	_ =	shalt  }
0x43: {  	_ =	shalt  }
0x44: {  	_ =	shalt  }
0x45: {  	_ =	shalt  }
0x46: {  	_ =	shalt  }
0x47: {  	_ =	shalt  }
0x48: {  	_ =	shalt  }
0x49: {  	_ =	shalt  }
0x4a: {  	_ =	shalt  }
0x4b: {  	_ =	shalt  }
0x4c: {  	_ =	shalt  }
0x4d: {  	_ =	shalt  }
0x4e: {  	_ =	shalt  }
0x4f: {  	_ =	shalt  }
0x50: {  	_ =	shalt  }
0x51: {  	_ =	shalt  }
0x52: {  	_ =	shalt  }
0x53: {  	_ =	shalt  }
0x54: {  	_ =	shalt  }
0x55: {  	_ =	shalt  }
0x56: {  	_ =	shalt  }
0x57: {  	_ =	shalt  }
0x58: {  	_ =	shalt  }
0x59: {  	_ =	shalt  }
0x5a: {  	_ =	shalt  }
0x5b: {  	_ =	shalt  }
0x5c: {  	_ =	shalt  }
0x5d: {  	_ =	shalt  }
0x5e: {  	_ =	shalt  }
0x5f: {  	_ =	shalt  }
0x60: {  	_ =	shalt  }
0x61: {  	_ =	shalt  }
0x62: {  	_ =	shalt  }
0x63: {  	_ =	shalt  }
0x64: {  	_ =	shalt  }
0x65: {  	_ =	shalt  }
0x66: {  	_ =	shalt  }
0x67: {  	_ =	shalt  }
0x68: {  	_ =	shalt  }
0x69: {  	_ =	shalt  }
0x6a: {  	_ =	shalt  }
0x6b: {  	_ =	shalt  }
0x6c: {  	_ =	shalt  }
0x6d: {  	_ =	shalt  }
0x6e: {  	_ =	shalt  }
0x6f: {  	_ =	shalt  }
0x70: {  	_ =	shalt  }
0x71: {  	_ =	shalt  }
0x72: {  	_ =	shalt  }
0x73: {  	_ =	shalt  }
0x74: {  	_ =	shalt  }
0x75: {  	_ =	shalt  }
0x76: {  	_ =	shalt  }
0x77: {  	_ =	shalt  }
0x78: {  	_ =	shalt  }
0x79: {  	_ =	shalt  }
0x7a: {  	_ =	shalt  }
0x7b: {  	_ =	shalt  }
0x7c: {  	_ =	shalt  }
0x7d: {  	_ =	shalt  }
0x7e: {  	_ =	shalt  }
0x7f: {  	_ =	shalt  }
0x80: {  	_ =	shalt  }
0x81: {  	_ =	shalt  }
0x82: {  	_ =	shalt  }
0x83: {  	_ =	shalt  }
0x84: {  	_ =	shalt  }
0x85: {  	_ =	shalt  }
0x86: {  	_ =	shalt  }
0x87: {  	_ =	shalt  }
.Lfunc_end0:
.L_simem_size_0:
called_computation.1_lowered:
.L_overlay_start_0:
0x88: {  	s2 =	sld [smem:$0x3FD9]  }
0x89: {  	s3 =	sld [smem:$0x3FFE];
	_ =	sdelay $0x1  }
0x8a: {  	s1 =	srdreg.scid  }
0x8b: {  	s0 =	sand.u32 $0x1, s1  }
0x8c: {  	s17 =	sshll.u32 s0, $0xA;
	s2 =	sadd.s32 s3, s2  }
0x8d: {  	s2 =	sadd.s32 s2, s17  }
0x8e: {  	[smem:$0x3FC4] =	sst s2  }
0x8f: {  	_ = 	snop  }
0x90: {  	s2 =	sld [smem:$0x3FD0];
	(tm) =	ssettm $0x1  }
0x91: {  	s18 =	sld [smem:$0x3FFB];
	_ =	sdelay $0x3  }
0x92: {  	_ =	strace s18  }
0x93: {  	s3 =	sld [smem:$0x3FFC];
	_ =	sdelay $0x3  }
0x94: {  	_ =	strace s3  }
0x95: {  	s3 =	sld [smem:$0x3FFD];
	_ =	sdelay $0x3  }
0x96: {  	_ =	strace s3  }
0x97: {  	_ =	strace $0x8FFFFFFF  }
0x98: {  	s19 =	sld [smem:$0x3FDB];
	_ =	sdelay $0x1  }
0x99: {  	s4 =	simm.s32 $_scs_section_size  }
0x9a: {  	s5 =	simm.s32 $_size__tile_overlayer_lowered;
	s6 =	simm.s32 $_tile_overlayer_lowered  }
0x9b: {  	s22 =	simm.s32 $0x1BFF;
	s21 =	sshll.u32 s6, $0x1;
	s3 =	sadd.s32 s4, s19  }
0x9c: {  	s7 =	simm.s32 $0x0;
	s20 =	sshll.u32 s5, $0x1;
	s5 =	sadd.s32 s21, s3  }
0x9d: {  	[timem:s7], [sflag:s22] =	dma.local [hbm:s5], s20  }
0x9e: {  	_ =	swait.ge [sflag:s22], s20  }
0x9f: {  	s4 =	ssub.s32 $0x0, s20;
	[sflag:s22] =	ssyncset.done $0x0  }
0xa0: {  	[sflag:s22] =	ssyncadd.s32 s4;
	_ =	sdelay $0x1  }
0xa1: {  	s23 =	simm.s32 $0x1B8B  }
0xa2: {  	_ =	swait.ge [sflag:s23], $0x1  }
0xa3: {  	[sflag:s23] =	ssyncset.done $0x0  }
0xa4: {  	s25 =	simm.s32 $0x1B8E;
	s24 =	sld [smem:$0x3FFE];
	[sflag:s23] =	ssyncadd.s32 $0xFFFFFFFF  }
0xa5: {  	s26 =	simm.s32 $execute0_lowered;
	[smem:$0x3FD2] =	sst s25  }
0xa6: {  	s5 =	sshll.u32 s26, $0x1;
	_ =	strace $0x80000049;
	[dreg:$0x1] =	wrdreg $0xFFFFFFFF  }
0xa7: {  	s28 =	simm.s32 $_size_execute0_lowered;
	s3 =	sadd.s32 s3, s5;
	[dreg:$0x0] =	wrdreg $0x0  }
0xa8: {  	s5 =	sshll.u32 s28, $0x1;
	[dreg:$0x2] =	wrdreg s3  }
0xa9: {  	[dreg:$0x3] =	wrdreg s5  }
0xaa: {  	[dreg:$0x4] =	wrdreg $0xC0  }
0xab: {  	_ =	task [dreg:s7], $0x5FFFF  }
0xac: {  	[dreg:$0x1] =	wrdreg $0xFFFFFFFF  }
0xad: {  	[dreg:$0x0] =	wrdreg $0x60  }
0xae: {  	[dreg:$0x2] =	wrdreg s24  }
0xaf: {  	[dreg:$0x3] =	wrdreg s2  }
0xb0: {  	[dreg:$0x4] =	wrdreg $0x9  }
0xb1: {  	_ =	task.clear_ibuf [dreg:s7], $0x5FFFF;
	_ =	strace $0x90000049  }
0xb2: {  	s29 =	simm.s32 $0x9;
	_ =	strace $0x8000004B  }
0xb3: {  	_ =	swait.ge [sflag:s29], $0x1  }
0xb4: {  	[sflag:s29] =	ssyncadd.s32 $0xFFFFFFFF  }
0xb5: {  	_ =	strace $0x9000004B  }
0xb6: {  	_ =	sfence  }
0xb7: {  	s30 =	sld [smem:$0x0];
	_ =	sdelay $0x2  }
0xb8: {  	s31 =	sshll.u32 s1, $0xD;
	s1 =	sshrl.u32 s1, $0x2  }
0xb9: {  	s3 =	sand.u32 $0x4000, s31;
	s1 =	sadd.s32 s1, s30  }
0xba: {  	s0 =	sor.u32 s3, s0;
	s1 =	sshll.u32 s1, $0x11  }
0xbb: {  	s0 =	sor.u32 s1, s0  }
0xbc: {  	s0 =	sadd.s32 $0x8F2B, s0  }
0xbd: {  	[sflag:s0] =	ssyncadd.remote.s32 $0x1  }
0xbe: {  	_ =	sfence.sel $0xFFFF  }
0xbf: {  	[dreg:$0x0] =	wrdreg $0xFFFFFFFF;
	(pc) =	sbr.abs _section_cstart, $3  }
0xc0: {  	[dreg:$0x1] =	wrdreg $0xFFFFFFFF  }
0xc1: {  	_ =	task.clear_ibuf [dreg:s7], $0x2FFFF;
	_ =	strace $0x9FFFFFFF  }
0xc2: {  	(tm) =	ssettm $0x7FFFFFFF  }
0xc3: {  	_ =	shalt  }
tec
execute0_lowered:
.L_overlay_start_1:
0x0: {  	(tag) =	ssettag $0x1  }
0x1: {  	s0 =	rddreg [dreg:$0x0]  }
0x2: {  	s1 =	rddreg [dreg:$0x1]  }
0x3: {  	s2 =	simm.s32 $0x0;
	s3 =	srdreg.scid;
	s10 =	stileid.u32  }
0x4: {  	s11 =	simm.s32 $0x6;
	s12 =	simm.s32 $0x80;
	s13 =	simm.s32 $0xA280  }
0x5: {  	s14 =	simm.s32 $0xAA80;
	s16 =	simm.s32 $0xB280;
	s18 =	simm.s32 $0xBA80  }
0x6: {  	s20 =	simm.s32 $0xC280;
	s21 =	simm.s32 $0x1;
	s22 =	simm.s32 $0x2  }
0x7: {  	s23 =	simm.s32 $0x3;
	s24 =	simm.s32 $0x4;
	s25 =	simm.s32 $0x5  }
0x8: {  	s26 =	simm.s32 $0x0;
	[smem:$0x7FF] =	sst s2;
	s4 =	smul.u32 $0x14500, s10  }
0x9: {  	s6 =	sand.u32 $0x1, s3;
	s29 =	sshll.u32 s10, $0x1;
	s10 =	smul.u32 $0x28A00, s10  }
0xa: {  	s3 =	sadd.s32 $0xE00, s0;
	s9 =	sadd.s32 $0x1E9400, s0;
	s7 =	smul.u32 $0xA280, s6  }
0xb: {  	s5 =	sor.u32 s6, s29;
	s8 =	ssub.s32 $0x2, s6;
	s6 =	smul.u32 $0x14500, s6  }
0xc: {  	_ =	strace $0x8000004A;
	s5 =	smul.u32 $0xA280, s5;
	s30 =	sshrl.u32 s8, $0x1  }
.Ltmp0:
0xd: {  	s10 =	sadd.s32 s10, s9;
	s4 =	sadd.s32 s7, s4;
	(pc) =	sbr.rel .LBB2_1-.Ltmp0, $4  }
0xe: {  	s0 =	ssub.s32 s8, s30;
	s5 =	sshrl.u32 s5, $0x3;
	s7 =	sshll.u32 s4, $0x1  }
0xf: {  	s10 =	sadd.s32 s6, s10;
	s1 =	sadd.s32 s1, s5;
	s31 =	sadd.s32 s9, s7  }
0x10: {  	s5 =	smax.u32 s0, $0x1;
	[dreg:$0x3] =	wrdreg s1;
	s0 =	sadd.s32 $0x400, s31  }
0x11: {  	s7 =	sadd.s32 $0x300, s31;
	s8 =	sadd.s32 $0x200, s31;
	s9 =	sadd.s32 $0x100, s31  }
.LBB2_4:
0x12: {  	s26 =	sadd.s32 $0x1, s26  }
0x13: {  	p0 =	sne.s32 s26, s5  }
.Ltmp1:
0x14: {  	_ = 	snop;
	(pc) =	sbr.rel @!p0 .LBB2_5-.Ltmp1, $1  }
0x15: {  	_ =	sdelay $0x3  }
.LBB2_1:
0x16: {  	s1 =	rddreg [dreg:$0x3]  }
0x17: {  	[tilespmem:s2], [sflag:$0x6] =	stream.linear.gather [hbm4b:s1+s2], $0xA280, $0x38;
	[tilespmem:$0xCA80] =	vst v63  }
0x18: {  	_ =	swait.ge [sflag:s11], $0xA280  }
0x19: {  	[sflag:s11] =	ssyncset.done $0x0  }
0x1a: {  	[sflag:s11] =	ssyncadd.s32 $0xFFFF5D80  }
0x1b: {  	[tilespmem:s13], [sflag:$0x1] =	stream.indirect.gather [hbm4b:s3+s12], $0x10, s2, s12, $0xb8;
	[tilespmem:$0xCA80] =	vst v63  }
0x1c: {  	_ = 	snop  }
0x1d: {  	[tilespmem:s14], [sflag:$0x2] =	stream.indirect.gather [hbm4b:s3+s12], $0x10, s12, s12, $0xb8;
	[tilespmem:$0xCA80] =	vst v63  }
0x1e: {  	s15 =	simm.s32 $0x100;
	s17 =	simm.s32 $0x180;
	s19 =	simm.s32 $0x200  }
0x1f: {  	[tilespmem:s16], [sflag:$0x3] =	stream.indirect.gather [hbm4b:s3+s12], $0x10, s15, s12, $0xb8;
	[tilespmem:$0xCA80] =	vst v63  }
0x20: {  	s28 =	smov.u32 s10;
	s29 =	smov.u32 s9;
	s30 =	smov.u32 s8  }
0x21: {  	[tilespmem:s18], [sflag:$0x4] =	stream.indirect.gather [hbm4b:s3+s12], $0x10, s17, s12, $0xb8;
	[tilespmem:$0xCA80] =	vst v63  }
0x22: {  	s31 =	smov.u32 s7;
	s6 =	smov.u32 s0;
	s1 =	simm.s32 $0x0  }
0x23: {  	[tilespmem:s20], [sflag:$0x5] =	stream.indirect.gather [hbm4b:s3+s12], $0x10, s19, s12, $0xb8;
	[tilespmem:$0xCA80] =	vst v63  }
.LBB2_2:
0x24: {  	_ =	swait.ge [sflag:s21], $0x800  }
0x25: {  	[sflag:s21] =	ssyncset.done $0x0  }
0x26: {  	[sflag:s21] =	ssyncadd.s32 $0xFFFFF800  }
0x27: {  	[hbm4b:s28+s2] =	stream.linear.scatter [tilespmem:s13], [sflag:$0x6], $0x800, $0x38;
	[tilespmem:$0xCA80] =	vst v63  }
0x28: {  	p0 =	seq.s32 s1, $0x28000;
	_ =	swait.ge [sflag:s11], $0x800  }
0x29: {  	s15 =	sshra.s32 @!p0 s1, $0x2;
	s19 =	simm.s32 @!p0 $0x80;
	[sflag:s11] =	ssyncset.done $0x0  }
0x2a: {  	s4 =	simm.s32 @!p0 $0xA280;
	s17 =	sadd.s32 @!p0 $0x280, s15;
	[sflag:s11] =	ssyncadd.s32 $0xFFFFF800  }
0x2b: {  	[tilespmem:s4], [sflag:$0x1] =	stream.indirect.gather @!p0 [hbm4b:s3+s19], $0x10, s17, s19, $0xb8;
	[tilespmem:$0xCA80] =	vst v63  }
0x2c: {  	_ =	swait.ge [sflag:s22], $0x800  }
0x2d: {  	[sflag:s22] =	ssyncset.done $0x0  }
0x2e: {  	[sflag:s22] =	ssyncadd.s32 $0xFFFFF800  }
0x2f: {  	[hbm4b:s29+s2] =	stream.linear.scatter [tilespmem:s14], [sflag:$0x6], $0x800, $0x38;
	[tilespmem:$0xCA80] =	vst v63  }
0x30: {  	_ =	swait.ge [sflag:s11], $0x800  }
0x31: {  	[sflag:s11] =	ssyncset.done $0x0  }
0x32: {  	s4 =	sadd.s32 @!p0 $0x300, s15;
	s17 =	simm.s32 @!p0 $0xAA80;
	[sflag:s11] =	ssyncadd.s32 $0xFFFFF800  }
0x33: {  	[tilespmem:s17], [sflag:$0x2] =	stream.indirect.gather @!p0 [hbm4b:s3+s19], $0x10, s4, s19, $0xb8;
	[tilespmem:$0xCA80] =	vst v63  }
0x34: {  	_ =	swait.ge [sflag:s23], $0x800  }
0x35: {  	[sflag:s23] =	ssyncset.done $0x0  }
0x36: {  	[sflag:s23] =	ssyncadd.s32 $0xFFFFF800  }
0x37: {  	[hbm4b:s30+s2] =	stream.linear.scatter [tilespmem:s16], [sflag:$0x6], $0x800, $0x38;
	[tilespmem:$0xCA80] =	vst v63  }
0x38: {  	_ =	swait.ge [sflag:s11], $0x800  }
0x39: {  	[sflag:s11] =	ssyncset.done $0x0  }
0x3a: {  	s4 =	sadd.s32 @!p0 $0x380, s15;
	s17 =	simm.s32 @!p0 $0xB280;
	[sflag:s11] =	ssyncadd.s32 $0xFFFFF800  }
0x3b: {  	[tilespmem:s17], [sflag:$0x3] =	stream.indirect.gather @!p0 [hbm4b:s3+s19], $0x10, s4, s19, $0xb8;
	[tilespmem:$0xCA80] =	vst v63  }
0x3c: {  	_ =	swait.ge [sflag:s24], $0x800  }
0x3d: {  	[sflag:s24] =	ssyncset.done $0x0  }
0x3e: {  	[sflag:s24] =	ssyncadd.s32 $0xFFFFF800  }
0x3f: {  	[hbm4b:s31+s2] =	stream.linear.scatter [tilespmem:s18], [sflag:$0x6], $0x800, $0x38;
	[tilespmem:$0xCA80] =	vst v63  }
0x40: {  	_ =	swait.ge [sflag:s11], $0x800  }
0x41: {  	[sflag:s11] =	ssyncset.done $0x0  }
0x42: {  	s4 =	sadd.s32 @!p0 $0x400, s15;
	s15 =	simm.s32 @!p0 $0xBA80;
	[sflag:s11] =	ssyncadd.s32 $0xFFFFF800  }
0x43: {  	[tilespmem:s15], [sflag:$0x4] =	stream.indirect.gather @!p0 [hbm4b:s3+s19], $0x10, s4, s19, $0xb8;
	[tilespmem:$0xCA80] =	vst v63  }
0x44: {  	_ =	swait.ge [sflag:s25], $0x800  }
0x45: {  	[sflag:s25] =	ssyncset.done $0x0  }
.Ltmp2:
0x46: {  	[sflag:s25] =	ssyncadd.s32 $0xFFFFF800;
	(pc) =	sbr.rel @p0 .LBB2_4-.Ltmp2, $4  }
0x47: {  	[hbm4b:s6+s2] =	stream.linear.scatter [tilespmem:s20], [sflag:$0x6], $0x800, $0x38;
	[tilespmem:$0xCA80] =	vst v63  }
0x48: {  	_ =	swait.ge [sflag:s11], $0x800  }
0x49: {  	[sflag:s11] =	ssyncset.done $0x0  }
0x4a: {  	[sflag:s11] =	ssyncadd.s32 $0xFFFFF800  }
.Ltmp3:
0x4b: {  	(pc) =	sbr.rel .LBB2_2-.Ltmp3, $4  }
0x4c: {  	s4 =	sshra.s32 s1, $0x2;
	s1 =	sadd.s32 $0xA00, s1  }
0x4d: {  	s6 =	sadd.s32 $0x500, s6;
	s31 =	sadd.s32 $0x500, s31;
	s30 =	sadd.s32 $0x500, s30  }
0x4e: {  	s29 =	sadd.s32 $0x500, s29;
	s28 =	sadd.s32 $0x500, s28;
	s4 =	sadd.s32 $0x480, s4  }
0x4f: {  	[tilespmem:s20], [sflag:$0x5] =	stream.indirect.gather [hbm4b:s3+s12], $0x10, s4, s12, $0xb8;
	[tilespmem:$0xCA80] =	vst v63  }
.LBB2_5:
0x50: {  	_ =	sfence.sel $0x180000  }
0x51: {  	[bflag:$0x0] =	sbarrier.arrive $0xFFFF  }
0x52: {  	_ =	strace $0x9000004A  }
0x53: {  	s0 =	stileid.u32;
	[bflag:$0x2] =	sbarrier.arrive $0xFFFF  }
0x54: {  	p0 =	sne.s32 s0, $0x0;
	s0 =	rddreg [dreg:$0x2]  }
0x55: {  	s0 =	sadd.s32 @!p0 $0x100000, s0  }
0x56: {  	[sflag:s0] =	ssyncadd.tile.s32 @!p0 $0x1;
	_ =	shalt  }
.Lfunc_end2:
_tile_overlayer_lowered:
.L_overlay_start_2:
0x57: {  	(tag) =	ssettag $0x2  }
0x58: {  	s0 =	rddreg [dreg:$0x0];
	s2 =	stileid.u32  }
0x59: {  	s1 =	rddreg [dreg:$0x1];
	p0 =	sne.s32 s2, $0x0  }
0x5a: {  	s3 =	rddreg [dreg:$0x2];
	[bflag:$0x3] =	sbarrier.arrive $0xFFFF;
	s2 =	simm.s32 @!p0 $0x1C06  }
0x5b: {  	[timem:s3], [sflag:s2] =	dma.local @!p0 [hbm:s0], s1  }
0x5c: {  	s0 =	simm.s32 @!p0 $0x6  }
0x5d: {  	_ =	swait.ge @!p0 [sflag:s0], s1  }
0x5e: {  	s1 =	ssub.s32 @!p0 $0x0, s1;
	[sflag:s0] =	ssyncset.done @!p0 $0x0  }
0x5f: {  	[sflag:s0] =	ssyncadd.s32 @!p0 s1  }
0x60: {  	[bflag:$0x3] =	sbarrier.arrive $0xFFFF  }
0x61: {  	_ =	shalt  }

</sc_bundles>
